<compile_context>
chip_gen: v7x
topology: tpu7x:2x2x1
jax: 0.10.2.dev20260603
libtpu: 0.0.44.dev20260713+nightly
codegen_flags: <defaults>
</compile_context>

<pallas_src>
import jax
import jax.numpy as jnp
from jax import lax
from jax.experimental import pallas as pl
from jax.experimental.pallas import tpu as pltpu
from jax.experimental.pallas import tpu_sc as plsc

_MEM = 100000
_D = 256
_NC = 10
_B = 1000
_NB = _MEM // (_NC * _B)
_CHUNK = _MEM // _NC


def _score(keys, q, qn2):
    dots = jnp.sum(keys * q, axis=1)
    kn2 = jnp.sum(keys * keys, axis=1)
    return dots * jnp.abs(dots) / jnp.maximum(qn2 * kn2, 1e-16)


def _masked_best(keys, q, qn2, base, ptr):
    s = _score(keys, q, qn2)
    gidx = base + jax.lax.iota(jnp.int32, _B)
    s = jnp.where(gidx < ptr, s, -jnp.inf)
    m = jnp.max(s)
    gi = base + jnp.argmax(s).astype(jnp.int32)
    return m, gi


def _chunk_update(i, c, q, qn2, ptr, keys, best_v, best_b):
    base = c * _CHUNK + i * _B
    m = jnp.max(_score(keys, q, qn2))
    better = (base + _B <= ptr) & (
        (m > best_v[0]) | ((m == best_v[0]) & (base < best_b[0])))

    @pl.when(better)
    def _():
        best_v[0] = m
        best_b[0] = base


def _scan_body(ptr_ref, q_ref, *rest):
    mrefs = rest[:_NC]
    mem_any = rest[_NC]
    idx_ref = rest[_NC + 1]
    best_v, best_b, blk1, blk2, sem1, sem2 = rest[_NC + 2:]
    i = pl.program_id(0)

    @pl.when(i == 0)
    def _():
        best_v[0] = -jnp.inf
        best_b[0] = 0

    q = q_ref[...]
    qn2 = jnp.sum(q * q)
    ptr = ptr_ref[0]
    for c, mref in enumerate(mrefs):
        _chunk_update(i, c, q, qn2, ptr, mref[...], best_v, best_b)

    @pl.when(i == pl.num_programs(0) - 1)
    def _():
        b1 = pl.multiple_of(best_b[0], 8)
        pb = pl.multiple_of(jnp.minimum((ptr // _B) * _B, _MEM - _B), 8)
        c1 = pltpu.make_async_copy(
            mem_any.at[pl.ds(b1, _B), pl.ds(0, _D)], blk1, sem1)
        c2 = pltpu.make_async_copy(
            mem_any.at[pl.ds(pb, _B), pl.ds(0, _D)], blk2, sem2)
        c1.start()
        c2.start()
        c1.wait()
        c2.wait()
        m1, g1 = _masked_best(blk1[...], q, qn2, b1, ptr)
        m2, g2 = _masked_best(blk2[...], q, qn2, pb, ptr)
        take2 = (m2 > m1) | ((m2 == m1) & (g2 < g1))
        gi = jnp.where(take2, g2, g1)
        for k in range(8):
            idx_ref[k] = gi


def _sc_gather_body(idx_hbm, mem_hbm, out_hbm, idx_v, rows_v, sem):
    cid = lax.axis_index("c")
    sid = lax.axis_index("s")

    @pl.when((cid == 0) & (sid == 0))
    def _():
        pltpu.sync_copy(idx_hbm, idx_v)
        pltpu.async_copy(mem_hbm.at[idx_v], rows_v, sem).wait()
        pltpu.sync_copy(rows_v.at[0, pl.ds(_D, _D)], out_hbm)


def kernel(query, memory, pointer):
    q2 = query.reshape(1, _D)
    ptr = jnp.asarray(pointer, jnp.int32).reshape(1)

    def _mspec(c):
        nblk = _CHUNK // _B
        return pl.BlockSpec((_B, _D), lambda i, p, c=c: (c * nblk + i, 0))

    idx = pl.pallas_call(
        _scan_body,
        grid_spec=pltpu.PrefetchScalarGridSpec(
            num_scalar_prefetch=1,
            grid=(_NB,),
            in_specs=[pl.BlockSpec((1, _D), lambda i, p: (0, 0))]
            + [_mspec(c) for c in range(_NC)]
            + [pl.BlockSpec(memory_space=pl.ANY)],
            out_specs=pl.BlockSpec(memory_space=pltpu.SMEM),
            scratch_shapes=[
                pltpu.SMEM((1,), jnp.float32),
                pltpu.SMEM((1,), jnp.int32),
                pltpu.VMEM((_B, _D), jnp.float32),
                pltpu.VMEM((_B, _D), jnp.float32),
                pltpu.SemaphoreType.DMA,
                pltpu.SemaphoreType.DMA,
            ],
        ),
        out_shape=jax.ShapeDtypeStruct((8,), jnp.int32),
    )(ptr, q2, *([memory] * _NC), memory)

    row = pl.kernel(
        _sc_gather_body,
        mesh=plsc.VectorSubcoreMesh(core_axis_name="c", subcore_axis_name="s"),
        out_type=jax.ShapeDtypeStruct((_D,), jnp.float32),
        scratch_types=[
            pltpu.VMEM((8,), jnp.int32),
            pltpu.VMEM((8, 2 * _D), jnp.float32),
            pltpu.SemaphoreType.DMA,
        ],
    )(idx, memory)

    return row

# --- scband reference (transcript-rebuilt; emitter-appended) ---
"""Pipeline reference for scband-external-memory-module-51213190037513 (READ-ONLY COPY).

The authoritative reference and input builder live on the scoring server;
editing this copy changes nothing except your own understanding.
"""

import jax, jax.numpy as jnp
import numpy as np

MEM_SIZE = 100000
EMBED_DIM = 256


def setup_inputs(seed: int = 0) -> dict:
    key = jax.random.key(seed)
    k1, k2 = jax.random.split(key)
    query = jax.random.normal(k1, (EMBED_DIM,), dtype=jnp.float32)
    # memory buffer holds [key | value] concatenated along feature dim
    memory = jax.random.normal(k2, (MEM_SIZE, EMBED_DIM * 2), dtype=jnp.float32)
    pointer = MEM_SIZE  # memory fully written (ring buffer wrapped)
    return {"query": query, "memory": memory, "pointer": pointer}


def reference(query, memory, pointer):
    # Faithful translation of ExternalMemoryModule.read(query) with a
    # non-empty memory (pointer slots written).
    embed_dim = memory.shape[1] // 2
    keys = memory[:, :embed_dim]
    values = memory[:, embed_dim:]
    # torch.cosine_similarity(query.unsqueeze(0), keys, dim=-1), eps=1e-8
    dots = keys @ query
    qn = jnp.linalg.norm(query)
    kn = jnp.linalg.norm(keys, axis=-1)
    similarities = dots / jnp.maximum(qn * kn, 1e-8)
    valid = jnp.arange(memory.shape[0]) < pointer
    similarities = jnp.where(valid, similarities, -jnp.inf)
    idx = jnp.argmax(similarities)
    return values[idx]

if __name__ == "__main__":
    import jax
    _d = setup_inputs()
    print(jax.jit(kernel)(*tuple(_d.values())))

</pallas_src>

<mosaic_0001>
#map = affine_map<(d0, d1) -> (0)>
#map1 = affine_map<(d0, d1) -> (0, 0)>
module attributes {stable_mosaic.version = 14 : i64} {
  func.func @_sc_gather_body(%arg0: i32, %arg1: i32, %arg2: memref<8xi32, #tpu.memory_space<hbm>>, %arg3: memref<100000x512xf32, #tpu.memory_space<hbm>>, %arg4: memref<256xf32, #tpu.memory_space<hbm>>, %arg5: memref<8xi32, #tpu.memory_space<vmem>>, %arg6: memref<8x512xf32, #tpu.memory_space<vmem>>, %arg7: memref<!tpu.dma_semaphore, #tpu.memory_space<semaphore_mem>>) attributes {dimension_semantics = [#tpu.dimension_semantics<core_parallel>, #tpu.dimension_semantics<subcore_parallel>], iteration_bounds = array<i64: 2, 16>, scalar_prefetch = 0 : i64, scratch_operands = 3 : i64, tpu.core_type = #tpu.core_type<sc_vector_subcore>, window_params = [{transform_indices = #map}, {transform_indices = #map1}, {transform_indices = #map}]} {
    %eq3A = arith.constant 0 : i32
    %eq3A_0 = arith.cmpi eq, %arg0, %eq3A : i32
    %eq3A_1 = arith.constant 0 : i32
    %eq3A_2 = arith.cmpi eq, %arg1, %eq3A_1 : i32
    %and3A = arith.andi %eq3A_0, %eq3A_2 : i1
    %convert_element_type3A = arith.extui %and3A : i1 to i32
    %cond3A = arith.constant 0 : i32
    %cond3A_3 = arith.cmpi ne, %convert_element_type3A, %cond3A : i32
    scf.if %cond3A_3 {
      "tpu.region"() ({
        %run_scoped3A_8 = tpu.sem_alloc : memref<!tpu.dma_semaphore, #tpu.memory_space<semaphore_mem>>
        tpu.enqueue_dma source(%arg2 : memref<8xi32, #tpu.memory_space<hbm>>) target(%arg5 : memref<8xi32, #tpu.memory_space<vmem>>) target_semaphore(%run_scoped3A_8 : memref<!tpu.dma_semaphore, #tpu.memory_space<semaphore_mem>>)
        tpu.wait_dma2 semaphore(%run_scoped3A_8 : memref<!tpu.dma_semaphore, #tpu.memory_space<semaphore_mem>>) src(%arg2 : memref<8xi32, #tpu.memory_space<hbm>>) dst(%arg5 : memref<8xi32, #tpu.memory_space<vmem>>)
        tpu.yield
      }) : () -> ()
      %dma_start3A = arith.constant 0 : i32
      %dma_start3A_4 = arith.constant 0 : i32
      %dma_start3A_5 = tpu.memref_slice %arg3[%dma_start3A, %dma_start3A_4] : memref<100000x512xf32, #tpu.memory_space<hbm>> -> memref<100000x512xf32, #tpu.memory_space<hbm>>
      tpu.enqueue_indirect_dma source(%dma_start3A_5 : memref<100000x512xf32, #tpu.memory_space<hbm>>) target(%arg6 : memref<8x512xf32, #tpu.memory_space<vmem>>) offsets(%arg5 : memref<8xi32, #tpu.memory_space<vmem>>) semaphore(%arg7 : memref<!tpu.dma_semaphore, #tpu.memory_space<semaphore_mem>>)
      %dma_wait3A = arith.constant 0 : i32
      %dma_wait3A_6 = arith.constant 0 : i32
      %dma_wait3A_7 = tpu.memref_slice %arg3[%dma_wait3A, %dma_wait3A_6] : memref<100000x512xf32, #tpu.memory_space<hbm>> -> memref<100000x512xf32, #tpu.memory_space<hbm>>
      tpu.wait_indirect_dma semaphore(%arg7 : memref<!tpu.dma_semaphore, #tpu.memory_space<semaphore_mem>>) src(%dma_wait3A_7 : memref<100000x512xf32, #tpu.memory_space<hbm>>) dst(%arg6 : memref<8x512xf32, #tpu.memory_space<vmem>>)
      %run_scoped3A = arith.constant 0 : i32
      "tpu.region"() ({
        %run_scoped3A_8 = tpu.sem_alloc : memref<!tpu.dma_semaphore, #tpu.memory_space<semaphore_mem>>
        %dma_start3A_9 = arith.constant 256 : i32
        %dma_start3A_10 = tpu.memref_slice %arg6[%run_scoped3A, %dma_start3A_9] : memref<8x512xf32, #tpu.memory_space<vmem>> -> memref<1x256xf32, #tpu.memory_space<vmem>>
        %dma_start3A_11 = tpu.memref_squeeze %dma_start3A_10 : memref<1x256xf32, #tpu.memory_space<vmem>> -> memref<256xf32, #tpu.memory_space<vmem>>
        %dma_start3A_12 = arith.constant 256 : i32
        %dma_start3A_13 = tpu.memref_slice %arg6[%run_scoped3A, %dma_start3A_12] : memref<8x512xf32, #tpu.memory_space<vmem>> -> memref<1x256xf32, #tpu.memory_space<vmem>>
        %dma_start3A_14 = tpu.memref_squeeze %dma_start3A_13 : memref<1x256xf32, #tpu.memory_space<vmem>> -> memref<256xf32, #tpu.memory_space<vmem>>
        tpu.enqueue_dma source(%dma_start3A_14 : memref<256xf32, #tpu.memory_space<vmem>>) target(%arg4 : memref<256xf32, #tpu.memory_space<hbm>>) target_semaphore(%run_scoped3A_8 : memref<!tpu.dma_semaphore, #tpu.memory_space<semaphore_mem>>)
        %dma_wait3A_15 = arith.constant 256 : i32
        %dma_wait3A_16 = tpu.memref_slice %arg6[%run_scoped3A, %dma_wait3A_15] : memref<8x512xf32, #tpu.memory_space<vmem>> -> memref<1x256xf32, #tpu.memory_space<vmem>>
        %dma_wait3A_17 = tpu.memref_squeeze %dma_wait3A_16 : memref<1x256xf32, #tpu.memory_space<vmem>> -> memref<256xf32, #tpu.memory_space<vmem>>
        %dma_wait3A_18 = arith.constant 256 : i32
        %dma_wait3A_19 = tpu.memref_slice %arg6[%run_scoped3A, %dma_wait3A_18] : memref<8x512xf32, #tpu.memory_space<vmem>> -> memref<1x256xf32, #tpu.memory_space<vmem>>
        %dma_wait3A_20 = tpu.memref_squeeze %dma_wait3A_19 : memref<1x256xf32, #tpu.memory_space<vmem>> -> memref<256xf32, #tpu.memory_space<vmem>>
        tpu.wait_dma2 semaphore(%run_scoped3A_8 : memref<!tpu.dma_semaphore, #tpu.memory_space<semaphore_mem>>) src(%dma_wait3A_20 : memref<256xf32, #tpu.memory_space<vmem>>) dst(%arg4 : memref<256xf32, #tpu.memory_space<hbm>>)
        tpu.yield
      }) : () -> ()
    } else {
    }
    return
  }
}

module attributes {stable_mosaic.version = 14 : i64} {
  func.func @_scan_body(%arg0: i32, %arg1: memref<1xi32, #tpu.memory_space<smem>>, %arg2: memref<1x256xf32, #tpu.memory_space<vmem>>, %arg3: memref<1000x256xf32, #tpu.memory_space<vmem>>, %arg4: memref<1000x256xf32, #tpu.memory_space<vmem>>, %arg5: memref<1000x256xf32, #tpu.memory_space<vmem>>, %arg6: memref<1000x256xf32, #tpu.memory_space<vmem>>, %arg7: memref<1000x256xf32, #tpu.memory_space<vmem>>, %arg8: memref<1000x256xf32, #tpu.memory_space<vmem>>, %arg9: memref<1000x256xf32, #tpu.memory_space<vmem>>, %arg10: memref<1000x256xf32, #tpu.memory_space<vmem>>, %arg11: memref<1000x256xf32, #tpu.memory_space<vmem>>, %arg12: memref<1000x256xf32, #tpu.memory_space<vmem>>, %arg13: memref<100000x512xf32, #tpu.memory_space<any>>, %arg14: memref<8xi32, #tpu.memory_space<smem>>, %arg15: memref<1xf32, #tpu.memory_space<smem>>, %arg16: memref<1xi32, #tpu.memory_space<smem>>, %arg17: memref<1000x256xf32, #tpu.memory_space<vmem>>, %arg18: memref<1000x256xf32, #tpu.memory_space<vmem>>, %arg19: memref<!tpu.dma_semaphore, #tpu.memory_space<semaphore_mem>>, %arg20: memref<!tpu.dma_semaphore, #tpu.memory_space<semaphore_mem>>) attributes {dimension_semantics = [#tpu.dimension_semantics<arbitrary>], iteration_bounds = array<i64: 10>, scalar_prefetch = 1 : i64, scratch_operands = 6 : i64, tpu.core_type = #tpu.core_type<tc>, window_params = [{pipeline_mode = #tpu.pipeline_mode<synchronous>, transform_indices = @transform_0, window_bounds = array<i64: 1, 256>}, {transform_indices = @transform_1, window_bounds = array<i64: 1000, 256>}, {transform_indices = @transform_2, window_bounds = array<i64: 1000, 256>}, {transform_indices = @transform_3, window_bounds = array<i64: 1000, 256>}, {transform_indices = @transform_4, window_bounds = array<i64: 1000, 256>}, {transform_indices = @transform_5, window_bounds = array<i64: 1000, 256>}, {transform_indices = @transform_6, window_bounds = array<i64: 1000, 256>}, {transform_indices = @transform_7, window_bounds = array<i64: 1000, 256>}, {transform_indices = @transform_8, window_bounds = array<i64: 1000, 256>}, {transform_indices = @transform_9, window_bounds = array<i64: 1000, 256>}, {transform_indices = @transform_10, window_bounds = array<i64: 1000, 256>}, {}, {transform_indices = @transform_12, window_bounds = array<i64: 8>}]} {
    %eq3A = arith.constant 0 : i32
    %eq3A_0 = arith.cmpi eq, %arg0, %eq3A : i32
    %convert_element_type3A = arith.extui %eq3A_0 : i1 to i32
    %cond3A = arith.constant 0 : i32
    %cond3A_1 = arith.cmpi ne, %convert_element_type3A, %cond3A : i32
    scf.if %cond3A_1 {
      %swap3A = arith.constant 0xFF800000 : f32
      %swap3A_455 = arith.constant 0 : index
      %swap3A_456 = memref.load %arg15[%swap3A_455] : memref<1xf32, #tpu.memory_space<smem>>
      memref.store %swap3A, %arg15[%swap3A_455] : memref<1xf32, #tpu.memory_space<smem>>
      %swap3A_457 = arith.constant 0 : i32
      %swap3A_458 = arith.constant 0 : index
      %swap3A_459 = memref.load %arg16[%swap3A_458] : memref<1xi32, #tpu.memory_space<smem>>
      memref.store %swap3A_457, %arg16[%swap3A_458] : memref<1xi32, #tpu.memory_space<smem>>
    } else {
    }
    %get3A = arith.constant 0 : index
    %get3A_2 = arith.constant 0 : index
    %get3A_3 = vector.load %arg2[%get3A, %get3A_2] : memref<1x256xf32, #tpu.memory_space<vmem>>, vector<1x256xf32>
    %mul3A = arith.mulf %get3A_3, %get3A_3 : vector<1x256xf32>
    %reduce_sum3A = vector.shape_cast %mul3A : vector<1x256xf32> to vector<1x1x256xf32>
    %reduce_sum3A_4 = arith.constant dense<0.000000e+00> : vector<1xf32>
    %reduce_sum3A_5 = vector.multi_reduction <add>, %reduce_sum3A, %reduce_sum3A_4 [1, 2] : vector<1x1x256xf32> to vector<1xf32>
    %reduce_sum3A_6 = vector.shape_cast %reduce_sum3A_5 : vector<1xf32> to vector<1x1x1xf32>
    %reduce_sum3A_7 = vector.extract %reduce_sum3A_6[0, 0, 0] : f32 from vector<1x1x1xf32>
    %get3A_8 = arith.constant 0 : index
    %get3A_9 = memref.load %arg1[%get3A_8] : memref<1xi32, #tpu.memory_space<smem>>
    %get3A_10 = arith.constant 0 : index
    %get3A_11 = arith.constant 0 : index
    %get3A_12 = vector.load %arg3[%get3A_10, %get3A_11] : memref<1000x256xf32, #tpu.memory_space<vmem>>, vector<1000x256xf32>
    %mul3A_13 = arith.constant 1000 : i32
    %mul3A_14 = arith.muli %arg0, %mul3A_13 : i32
    %add3A = arith.constant 0 : i32
    %add3A_15 = arith.addi %add3A, %mul3A_14 : i32
    %mul3A_16 = vector.broadcast %get3A_3 : vector<1x256xf32> to vector<1000x256xf32>
    %mul3A_17 = arith.mulf %get3A_12, %mul3A_16 : vector<1000x256xf32>
    %reduce_sum3A_18 = arith.constant dense<0.000000e+00> : vector<1000xf32>
    %reduce_sum3A_19 = vector.multi_reduction <add>, %mul3A_17, %reduce_sum3A_18 [1] : vector<1000x256xf32> to vector<1000xf32>
    %mul3A_20 = arith.mulf %get3A_12, %get3A_12 : vector<1000x256xf32>
    %reduce_sum3A_21 = arith.constant dense<0.000000e+00> : vector<1000xf32>
    %reduce_sum3A_22 = vector.multi_reduction <add>, %mul3A_20, %reduce_sum3A_21 [1] : vector<1000x256xf32> to vector<1000xf32>
    %abs3A = math.absf %reduce_sum3A_19 : vector<1000xf32>
    %mul3A_23 = arith.mulf %reduce_sum3A_19, %abs3A : vector<1000xf32>
    %mul3A_24 = vector.broadcast %reduce_sum3A_7 : f32 to vector<1000xf32>
    %mul3A_25 = arith.mulf %mul3A_24, %reduce_sum3A_22 : vector<1000xf32>
    %max3A = arith.constant 1.000000e-16 : f32
    %max3A_26 = vector.broadcast %max3A : f32 to vector<1000xf32>
    %max3A_27 = arith.maximumf %mul3A_25, %max3A_26 : vector<1000xf32>
    %div3A = arith.divf %mul3A_23, %max3A_27 : vector<1000xf32>
    %reduce_max3A = vector.shape_cast %div3A : vector<1000xf32> to vector<1x1000xf32>
    %reduce_max3A_28 = arith.constant dense<0xFF800000> : vector<1xf32>
    %reduce_max3A_29 = vector.multi_reduction <maximumf>, %reduce_max3A, %reduce_max3A_28 [1] : vector<1x1000xf32> to vector<1xf32>
    %reduce_max3A_30 = vector.shape_cast %reduce_max3A_29 : vector<1xf32> to vector<1x1xf32>
    %reduce_max3A_31 = vector.extract %reduce_max3A_30[0, 0] : f32 from vector<1x1xf32>
    %add3A_32 = arith.constant 1000 : i32
    %add3A_33 = arith.addi %add3A_15, %add3A_32 : i32
    %le3A = arith.cmpi sle, %add3A_33, %get3A_9 : i32
    %get3A_34 = arith.constant 0 : index
    %get3A_35 = memref.load %arg15[%get3A_34] : memref<1xf32, #tpu.memory_space<smem>>
    %gt3A = arith.cmpf ogt, %reduce_max3A_31, %get3A_35 : f32
    %get3A_36 = arith.constant 0 : index
    %get3A_37 = memref.load %arg15[%get3A_36] : memref<1xf32, #tpu.memory_space<smem>>
    %eq3A_38 = arith.cmpf oeq, %reduce_max3A_31, %get3A_37 : f32
    %get3A_39 = arith.constant 0 : index
    %get3A_40 = memref.load %arg16[%get3A_39] : memref<1xi32, #tpu.memory_space<smem>>
    %lt3A = arith.cmpi slt, %add3A_15, %get3A_40 : i32
    %and3A = arith.andi %eq3A_38, %lt3A : i1
    %or3A = arith.ori %gt3A, %and3A : i1
    %and3A_41 = arith.andi %le3A, %or3A : i1
    %convert_element_type3A_42 = arith.extui %and3A_41 : i1 to i32
    %cond3A_43 = arith.constant 0 : i32
    %cond3A_44 = arith.cmpi ne, %convert_element_type3A_42, %cond3A_43 : i32
    scf.if %cond3A_44 {
      %swap3A = arith.constant 0 : index
      %swap3A_455 = memref.load %arg15[%swap3A] : memref<1xf32, #tpu.memory_space<smem>>
      memref.store %reduce_max3A_31, %arg15[%swap3A] : memref<1xf32, #tpu.memory_space<smem>>
      %swap3A_456 = arith.constant 0 : index
      %swap3A_457 = memref.load %arg16[%swap3A_456] : memref<1xi32, #tpu.memory_space<smem>>
      memref.store %add3A_15, %arg16[%swap3A_456] : memref<1xi32, #tpu.memory_space<smem>>
    } else {
    }
    %get3A_45 = arith.constant 0 : index
    %get3A_46 = arith.constant 0 : index
    %get3A_47 = vector.load %arg4[%get3A_45, %get3A_46] : memref<1000x256xf32, #tpu.memory_space<vmem>>, vector<1000x256xf32>
    %mul3A_48 = arith.constant 1000 : i32
    %mul3A_49 = arith.muli %arg0, %mul3A_48 : i32
    %add3A_50 = arith.constant 10000 : i32
    %add3A_51 = arith.addi %add3A_50, %mul3A_49 : i32
    %mul3A_52 = vector.broadcast %get3A_3 : vector<1x256xf32> to vector<1000x256xf32>
    %mul3A_53 = arith.mulf %get3A_47, %mul3A_52 : vector<1000x256xf32>
    %reduce_sum3A_54 = arith.constant dense<0.000000e+00> : vector<1000xf32>
    %reduce_sum3A_55 = vector.multi_reduction <add>, %mul3A_53, %reduce_sum3A_54 [1] : vector<1000x256xf32> to vector<1000xf32>
    %mul3A_56 = arith.mulf %get3A_47, %get3A_47 : vector<1000x256xf32>
    %reduce_sum3A_57 = arith.constant dense<0.000000e+00> : vector<1000xf32>
    %reduce_sum3A_58 = vector.multi_reduction <add>, %mul3A_56, %reduce_sum3A_57 [1] : vector<1000x256xf32> to vector<1000xf32>
    %abs3A_59 = math.absf %reduce_sum3A_55 : vector<1000xf32>
    %mul3A_60 = arith.mulf %reduce_sum3A_55, %abs3A_59 : vector<1000xf32>
    %mul3A_61 = vector.broadcast %reduce_sum3A_7 : f32 to vector<1000xf32>
    %mul3A_62 = arith.mulf %mul3A_61, %reduce_sum3A_58 : vector<1000xf32>
    %max3A_63 = arith.constant 1.000000e-16 : f32
    %max3A_64 = vector.broadcast %max3A_63 : f32 to vector<1000xf32>
    %max3A_65 = arith.maximumf %mul3A_62, %max3A_64 : vector<1000xf32>
    %div3A_66 = arith.divf %mul3A_60, %max3A_65 : vector<1000xf32>
    %reduce_max3A_67 = vector.shape_cast %div3A_66 : vector<1000xf32> to vector<1x1000xf32>
    %reduce_max3A_68 = arith.constant dense<0xFF800000> : vector<1xf32>
    %reduce_max3A_69 = vector.multi_reduction <maximumf>, %reduce_max3A_67, %reduce_max3A_68 [1] : vector<1x1000xf32> to vector<1xf32>
    %reduce_max3A_70 = vector.shape_cast %reduce_max3A_69 : vector<1xf32> to vector<1x1xf32>
    %reduce_max3A_71 = vector.extract %reduce_max3A_70[0, 0] : f32 from vector<1x1xf32>
    %add3A_72 = arith.constant 1000 : i32
    %add3A_73 = arith.addi %add3A_51, %add3A_72 : i32
    %le3A_74 = arith.cmpi sle, %add3A_73, %get3A_9 : i32
    %get3A_75 = arith.constant 0 : index
    %get3A_76 = memref.load %arg15[%get3A_75] : memref<1xf32, #tpu.memory_space<smem>>
    %gt3A_77 = arith.cmpf ogt, %reduce_max3A_71, %get3A_76 : f32
    %get3A_78 = arith.constant 0 : index
    %get3A_79 = memref.load %arg15[%get3A_78] : memref<1xf32, #tpu.memory_space<smem>>
    %eq3A_80 = arith.cmpf oeq, %reduce_max3A_71, %get3A_79 : f32
    %get3A_81 = arith.constant 0 : index
    %get3A_82 = memref.load %arg16[%get3A_81] : memref<1xi32, #tpu.memory_space<smem>>
    %lt3A_83 = arith.cmpi slt, %add3A_51, %get3A_82 : i32
    %and3A_84 = arith.andi %eq3A_80, %lt3A_83 : i1
    %or3A_85 = arith.ori %gt3A_77, %and3A_84 : i1
    %and3A_86 = arith.andi %le3A_74, %or3A_85 : i1
    %convert_element_type3A_87 = arith.extui %and3A_86 : i1 to i32
    %cond3A_88 = arith.constant 0 : i32
    %cond3A_89 = arith.cmpi ne, %convert_element_type3A_87, %cond3A_88 : i32
    scf.if %cond3A_89 {
      %swap3A = arith.constant 0 : index
      %swap3A_455 = memref.load %arg15[%swap3A] : memref<1xf32, #tpu.memory_space<smem>>
      memref.store %reduce_max3A_71, %arg15[%swap3A] : memref<1xf32, #tpu.memory_space<smem>>
      %swap3A_456 = arith.constant 0 : index
      %swap3A_457 = memref.load %arg16[%swap3A_456] : memref<1xi32, #tpu.memory_space<smem>>
      memref.store %add3A_51, %arg16[%swap3A_456] : memref<1xi32, #tpu.memory_space<smem>>
    } else {
    }
    %get3A_90 = arith.constant 0 : index
    %get3A_91 = arith.constant 0 : index
    %get3A_92 = vector.load %arg5[%get3A_90, %get3A_91] : memref<1000x256xf32, #tpu.memory_space<vmem>>, vector<1000x256xf32>
    %mul3A_93 = arith.constant 1000 : i32
    %mul3A_94 = arith.muli %arg0, %mul3A_93 : i32
    %add3A_95 = arith.constant 20000 : i32
    %add3A_96 = arith.addi %add3A_95, %mul3A_94 : i32
    %mul3A_97 = vector.broadcast %get3A_3 : vector<1x256xf32> to vector<1000x256xf32>
    %mul3A_98 = arith.mulf %get3A_92, %mul3A_97 : vector<1000x256xf32>
    %reduce_sum3A_99 = arith.constant dense<0.000000e+00> : vector<1000xf32>
    %reduce_sum3A_100 = vector.multi_reduction <add>, %mul3A_98, %reduce_sum3A_99 [1] : vector<1000x256xf32> to vector<1000xf32>
    %mul3A_101 = arith.mulf %get3A_92, %get3A_92 : vector<1000x256xf32>
    %reduce_sum3A_102 = arith.constant dense<0.000000e+00> : vector<1000xf32>
    %reduce_sum3A_103 = vector.multi_reduction <add>, %mul3A_101, %reduce_sum3A_102 [1] : vector<1000x256xf32> to vector<1000xf32>
    %abs3A_104 = math.absf %reduce_sum3A_100 : vector<1000xf32>
    %mul3A_105 = arith.mulf %reduce_sum3A_100, %abs3A_104 : vector<1000xf32>
    %mul3A_106 = vector.broadcast %reduce_sum3A_7 : f32 to vector<1000xf32>
    %mul3A_107 = arith.mulf %mul3A_106, %reduce_sum3A_103 : vector<1000xf32>
    %max3A_108 = arith.constant 1.000000e-16 : f32
    %max3A_109 = vector.broadcast %max3A_108 : f32 to vector<1000xf32>
    %max3A_110 = arith.maximumf %mul3A_107, %max3A_109 : vector<1000xf32>
    %div3A_111 = arith.divf %mul3A_105, %max3A_110 : vector<1000xf32>
    %reduce_max3A_112 = vector.shape_cast %div3A_111 : vector<1000xf32> to vector<1x1000xf32>
    %reduce_max3A_113 = arith.constant dense<0xFF800000> : vector<1xf32>
    %reduce_max3A_114 = vector.multi_reduction <maximumf>, %reduce_max3A_112, %reduce_max3A_113 [1] : vector<1x1000xf32> to vector<1xf32>
    %reduce_max3A_115 = vector.shape_cast %reduce_max3A_114 : vector<1xf32> to vector<1x1xf32>
    %reduce_max3A_116 = vector.extract %reduce_max3A_115[0, 0] : f32 from vector<1x1xf32>
    %add3A_117 = arith.constant 1000 : i32
    %add3A_118 = arith.addi %add3A_96, %add3A_117 : i32
    %le3A_119 = arith.cmpi sle, %add3A_118, %get3A_9 : i32
    %get3A_120 = arith.constant 0 : index
    %get3A_121 = memref.load %arg15[%get3A_120] : memref<1xf32, #tpu.memory_space<smem>>
    %gt3A_122 = arith.cmpf ogt, %reduce_max3A_116, %get3A_121 : f32
    %get3A_123 = arith.constant 0 : index
    %get3A_124 = memref.load %arg15[%get3A_123] : memref<1xf32, #tpu.memory_space<smem>>
    %eq3A_125 = arith.cmpf oeq, %reduce_max3A_116, %get3A_124 : f32
    %get3A_126 = arith.constant 0 : index
    %get3A_127 = memref.load %arg16[%get3A_126] : memref<1xi32, #tpu.memory_space<smem>>
    %lt3A_128 = arith.cmpi slt, %add3A_96, %get3A_127 : i32
    %and3A_129 = arith.andi %eq3A_125, %lt3A_128 : i1
    %or3A_130 = arith.ori %gt3A_122, %and3A_129 : i1
    %and3A_131 = arith.andi %le3A_119, %or3A_130 : i1
    %convert_element_type3A_132 = arith.extui %and3A_131 : i1 to i32
    %cond3A_133 = arith.constant 0 : i32
    %cond3A_134 = arith.cmpi ne, %convert_element_type3A_132, %cond3A_133 : i32
    scf.if %cond3A_134 {
      %swap3A = arith.constant 0 : index
      %swap3A_455 = memref.load %arg15[%swap3A] : memref<1xf32, #tpu.memory_space<smem>>
      memref.store %reduce_max3A_116, %arg15[%swap3A] : memref<1xf32, #tpu.memory_space<smem>>
      %swap3A_456 = arith.constant 0 : index
      %swap3A_457 = memref.load %arg16[%swap3A_456] : memref<1xi32, #tpu.memory_space<smem>>
      memref.store %add3A_96, %arg16[%swap3A_456] : memref<1xi32, #tpu.memory_space<smem>>
    } else {
    }
    %get3A_135 = arith.constant 0 : index
    %get3A_136 = arith.constant 0 : index
    %get3A_137 = vector.load %arg6[%get3A_135, %get3A_136] : memref<1000x256xf32, #tpu.memory_space<vmem>>, vector<1000x256xf32>
    %mul3A_138 = arith.constant 1000 : i32
    %mul3A_139 = arith.muli %arg0, %mul3A_138 : i32
    %add3A_140 = arith.constant 30000 : i32
    %add3A_141 = arith.addi %add3A_140, %mul3A_139 : i32
    %mul3A_142 = vector.broadcast %get3A_3 : vector<1x256xf32> to vector<1000x256xf32>
    %mul3A_143 = arith.mulf %get3A_137, %mul3A_142 : vector<1000x256xf32>
    %reduce_sum3A_144 = arith.constant dense<0.000000e+00> : vector<1000xf32>
    %reduce_sum3A_145 = vector.multi_reduction <add>, %mul3A_143, %reduce_sum3A_144 [1] : vector<1000x256xf32> to vector<1000xf32>
    %mul3A_146 = arith.mulf %get3A_137, %get3A_137 : vector<1000x256xf32>
    %reduce_sum3A_147 = arith.constant dense<0.000000e+00> : vector<1000xf32>
    %reduce_sum3A_148 = vector.multi_reduction <add>, %mul3A_146, %reduce_sum3A_147 [1] : vector<1000x256xf32> to vector<1000xf32>
    %abs3A_149 = math.absf %reduce_sum3A_145 : vector<1000xf32>
    %mul3A_150 = arith.mulf %reduce_sum3A_145, %abs3A_149 : vector<1000xf32>
    %mul3A_151 = vector.broadcast %reduce_sum3A_7 : f32 to vector<1000xf32>
    %mul3A_152 = arith.mulf %mul3A_151, %reduce_sum3A_148 : vector<1000xf32>
    %max3A_153 = arith.constant 1.000000e-16 : f32
    %max3A_154 = vector.broadcast %max3A_153 : f32 to vector<1000xf32>
    %max3A_155 = arith.maximumf %mul3A_152, %max3A_154 : vector<1000xf32>
    %div3A_156 = arith.divf %mul3A_150, %max3A_155 : vector<1000xf32>
    %reduce_max3A_157 = vector.shape_cast %div3A_156 : vector<1000xf32> to vector<1x1000xf32>
    %reduce_max3A_158 = arith.constant dense<0xFF800000> : vector<1xf32>
    %reduce_max3A_159 = vector.multi_reduction <maximumf>, %reduce_max3A_157, %reduce_max3A_158 [1] : vector<1x1000xf32> to vector<1xf32>
    %reduce_max3A_160 = vector.shape_cast %reduce_max3A_159 : vector<1xf32> to vector<1x1xf32>
    %reduce_max3A_161 = vector.extract %reduce_max3A_160[0, 0] : f32 from vector<1x1xf32>
    %add3A_162 = arith.constant 1000 : i32
    %add3A_163 = arith.addi %add3A_141, %add3A_162 : i32
    %le3A_164 = arith.cmpi sle, %add3A_163, %get3A_9 : i32
    %get3A_165 = arith.constant 0 : index
    %get3A_166 = memref.load %arg15[%get3A_165] : memref<1xf32, #tpu.memory_space<smem>>
    %gt3A_167 = arith.cmpf ogt, %reduce_max3A_161, %get3A_166 : f32
    %get3A_168 = arith.constant 0 : index
    %get3A_169 = memref.load %arg15[%get3A_168] : memref<1xf32, #tpu.memory_space<smem>>
    %eq3A_170 = arith.cmpf oeq, %reduce_max3A_161, %get3A_169 : f32
    %get3A_171 = arith.constant 0 : index
    %get3A_172 = memref.load %arg16[%get3A_171] : memref<1xi32, #tpu.memory_space<smem>>
    %lt3A_173 = arith.cmpi slt, %add3A_141, %get3A_172 : i32
    %and3A_174 = arith.andi %eq3A_170, %lt3A_173 : i1
    %or3A_175 = arith.ori %gt3A_167, %and3A_174 : i1
    %and3A_176 = arith.andi %le3A_164, %or3A_175 : i1
    %convert_element_type3A_177 = arith.extui %and3A_176 : i1 to i32
    %cond3A_178 = arith.constant 0 : i32
    %cond3A_179 = arith.cmpi ne, %convert_element_type3A_177, %cond3A_178 : i32
    scf.if %cond3A_179 {
      %swap3A = arith.constant 0 : index
      %swap3A_455 = memref.load %arg15[%swap3A] : memref<1xf32, #tpu.memory_space<smem>>
      memref.store %reduce_max3A_161, %arg15[%swap3A] : memref<1xf32, #tpu.memory_space<smem>>
      %swap3A_456 = arith.constant 0 : index
      %swap3A_457 = memref.load %arg16[%swap3A_456] : memref<1xi32, #tpu.memory_space<smem>>
      memref.store %add3A_141, %arg16[%swap3A_456] : memref<1xi32, #tpu.memory_space<smem>>
    } else {
    }
    %get3A_180 = arith.constant 0 : index
    %get3A_181 = arith.constant 0 : index
    %get3A_182 = vector.load %arg7[%get3A_180, %get3A_181] : memref<1000x256xf32, #tpu.memory_space<vmem>>, vector<1000x256xf32>
    %mul3A_183 = arith.constant 1000 : i32
    %mul3A_184 = arith.muli %arg0, %mul3A_183 : i32
    %add3A_185 = arith.constant 40000 : i32
    %add3A_186 = arith.addi %add3A_185, %mul3A_184 : i32
    %mul3A_187 = vector.broadcast %get3A_3 : vector<1x256xf32> to vector<1000x256xf32>
    %mul3A_188 = arith.mulf %get3A_182, %mul3A_187 : vector<1000x256xf32>
    %reduce_sum3A_189 = arith.constant dense<0.000000e+00> : vector<1000xf32>
    %reduce_sum3A_190 = vector.multi_reduction <add>, %mul3A_188, %reduce_sum3A_189 [1] : vector<1000x256xf32> to vector<1000xf32>
    %mul3A_191 = arith.mulf %get3A_182, %get3A_182 : vector<1000x256xf32>
    %reduce_sum3A_192 = arith.constant dense<0.000000e+00> : vector<1000xf32>
    %reduce_sum3A_193 = vector.multi_reduction <add>, %mul3A_191, %reduce_sum3A_192 [1] : vector<1000x256xf32> to vector<1000xf32>
    %abs3A_194 = math.absf %reduce_sum3A_190 : vector<1000xf32>
    %mul3A_195 = arith.mulf %reduce_sum3A_190, %abs3A_194 : vector<1000xf32>
    %mul3A_196 = vector.broadcast %reduce_sum3A_7 : f32 to vector<1000xf32>
    %mul3A_197 = arith.mulf %mul3A_196, %reduce_sum3A_193 : vector<1000xf32>
    %max3A_198 = arith.constant 1.000000e-16 : f32
    %max3A_199 = vector.broadcast %max3A_198 : f32 to vector<1000xf32>
    %max3A_200 = arith.maximumf %mul3A_197, %max3A_199 : vector<1000xf32>
    %div3A_201 = arith.divf %mul3A_195, %max3A_200 : vector<1000xf32>
    %reduce_max3A_202 = vector.shape_cast %div3A_201 : vector<1000xf32> to vector<1x1000xf32>
    %reduce_max3A_203 = arith.constant dense<0xFF800000> : vector<1xf32>
    %reduce_max3A_204 = vector.multi_reduction <maximumf>, %reduce_max3A_202, %reduce_max3A_203 [1] : vector<1x1000xf32> to vector<1xf32>
    %reduce_max3A_205 = vector.shape_cast %reduce_max3A_204 : vector<1xf32> to vector<1x1xf32>
    %reduce_max3A_206 = vector.extract %reduce_max3A_205[0, 0] : f32 from vector<1x1xf32>
    %add3A_207 = arith.constant 1000 : i32
    %add3A_208 = arith.addi %add3A_186, %add3A_207 : i32
    %le3A_209 = arith.cmpi sle, %add3A_208, %get3A_9 : i32
    %get3A_210 = arith.constant 0 : index
    %get3A_211 = memref.load %arg15[%get3A_210] : memref<1xf32, #tpu.memory_space<smem>>
    %gt3A_212 = arith.cmpf ogt, %reduce_max3A_206, %get3A_211 : f32
    %get3A_213 = arith.constant 0 : index
    %get3A_214 = memref.load %arg15[%get3A_213] : memref<1xf32, #tpu.memory_space<smem>>
    %eq3A_215 = arith.cmpf oeq, %reduce_max3A_206, %get3A_214 : f32
    %get3A_216 = arith.constant 0 : index
    %get3A_217 = memref.load %arg16[%get3A_216] : memref<1xi32, #tpu.memory_space<smem>>
    %lt3A_218 = arith.cmpi slt, %add3A_186, %get3A_217 : i32
    %and3A_219 = arith.andi %eq3A_215, %lt3A_218 : i1
    %or3A_220 = arith.ori %gt3A_212, %and3A_219 : i1
    %and3A_221 = arith.andi %le3A_209, %or3A_220 : i1
    %convert_element_type3A_222 = arith.extui %and3A_221 : i1 to i32
    %cond3A_223 = arith.constant 0 : i32
    %cond3A_224 = arith.cmpi ne, %convert_element_type3A_222, %cond3A_223 : i32
    scf.if %cond3A_224 {
      %swap3A = arith.constant 0 : index
      %swap3A_455 = memref.load %arg15[%swap3A] : memref<1xf32, #tpu.memory_space<smem>>
      memref.store %reduce_max3A_206, %arg15[%swap3A] : memref<1xf32, #tpu.memory_space<smem>>
      %swap3A_456 = arith.constant 0 : index
      %swap3A_457 = memref.load %arg16[%swap3A_456] : memref<1xi32, #tpu.memory_space<smem>>
      memref.store %add3A_186, %arg16[%swap3A_456] : memref<1xi32, #tpu.memory_space<smem>>
    } else {
    }
    %get3A_225 = arith.constant 0 : index
    %get3A_226 = arith.constant 0 : index
    %get3A_227 = vector.load %arg8[%get3A_225, %get3A_226] : memref<1000x256xf32, #tpu.memory_space<vmem>>, vector<1000x256xf32>
    %mul3A_228 = arith.constant 1000 : i32
    %mul3A_229 = arith.muli %arg0, %mul3A_228 : i32
    %add3A_230 = arith.constant 50000 : i32
    %add3A_231 = arith.addi %add3A_230, %mul3A_229 : i32
    %mul3A_232 = vector.broadcast %get3A_3 : vector<1x256xf32> to vector<1000x256xf32>
    %mul3A_233 = arith.mulf %get3A_227, %mul3A_232 : vector<1000x256xf32>
    %reduce_sum3A_234 = arith.constant dense<0.000000e+00> : vector<1000xf32>
    %reduce_sum3A_235 = vector.multi_reduction <add>, %mul3A_233, %reduce_sum3A_234 [1] : vector<1000x256xf32> to vector<1000xf32>
    %mul3A_236 = arith.mulf %get3A_227, %get3A_227 : vector<1000x256xf32>
    %reduce_sum3A_237 = arith.constant dense<0.000000e+00> : vector<1000xf32>
    %reduce_sum3A_238 = vector.multi_reduction <add>, %mul3A_236, %reduce_sum3A_237 [1] : vector<1000x256xf32> to vector<1000xf32>
    %abs3A_239 = math.absf %reduce_sum3A_235 : vector<1000xf32>
    %mul3A_240 = arith.mulf %reduce_sum3A_235, %abs3A_239 : vector<1000xf32>
    %mul3A_241 = vector.broadcast %reduce_sum3A_7 : f32 to vector<1000xf32>
    %mul3A_242 = arith.mulf %mul3A_241, %reduce_sum3A_238 : vector<1000xf32>
    %max3A_243 = arith.constant 1.000000e-16 : f32
    %max3A_244 = vector.broadcast %max3A_243 : f32 to vector<1000xf32>
    %max3A_245 = arith.maximumf %mul3A_242, %max3A_244 : vector<1000xf32>
    %div3A_246 = arith.divf %mul3A_240, %max3A_245 : vector<1000xf32>
    %reduce_max3A_247 = vector.shape_cast %div3A_246 : vector<1000xf32> to vector<1x1000xf32>
    %reduce_max3A_248 = arith.constant dense<0xFF800000> : vector<1xf32>
    %reduce_max3A_249 = vector.multi_reduction <maximumf>, %reduce_max3A_247, %reduce_max3A_248 [1] : vector<1x1000xf32> to vector<1xf32>
    %reduce_max3A_250 = vector.shape_cast %reduce_max3A_249 : vector<1xf32> to vector<1x1xf32>
    %reduce_max3A_251 = vector.extract %reduce_max3A_250[0, 0] : f32 from vector<1x1xf32>
    %add3A_252 = arith.constant 1000 : i32
    %add3A_253 = arith.addi %add3A_231, %add3A_252 : i32
    %le3A_254 = arith.cmpi sle, %add3A_253, %get3A_9 : i32
    %get3A_255 = arith.constant 0 : index
    %get3A_256 = memref.load %arg15[%get3A_255] : memref<1xf32, #tpu.memory_space<smem>>
    %gt3A_257 = arith.cmpf ogt, %reduce_max3A_251, %get3A_256 : f32
    %get3A_258 = arith.constant 0 : index
    %get3A_259 = memref.load %arg15[%get3A_258] : memref<1xf32, #tpu.memory_space<smem>>
    %eq3A_260 = arith.cmpf oeq, %reduce_max3A_251, %get3A_259 : f32
    %get3A_261 = arith.constant 0 : index
    %get3A_262 = memref.load %arg16[%get3A_261] : memref<1xi32, #tpu.memory_space<smem>>
    %lt3A_263 = arith.cmpi slt, %add3A_231, %get3A_262 : i32
    %and3A_264 = arith.andi %eq3A_260, %lt3A_263 : i1
    %or3A_265 = arith.ori %gt3A_257, %and3A_264 : i1
    %and3A_266 = arith.andi %le3A_254, %or3A_265 : i1
    %convert_element_type3A_267 = arith.extui %and3A_266 : i1 to i32
    %cond3A_268 = arith.constant 0 : i32
    %cond3A_269 = arith.cmpi ne, %convert_element_type3A_267, %cond3A_268 : i32
    scf.if %cond3A_269 {
      %swap3A = arith.constant 0 : index
      %swap3A_455 = memref.load %arg15[%swap3A] : memref<1xf32, #tpu.memory_space<smem>>
      memref.store %reduce_max3A_251, %arg15[%swap3A] : memref<1xf32, #tpu.memory_space<smem>>
      %swap3A_456 = arith.constant 0 : index
      %swap3A_457 = memref.load %arg16[%swap3A_456] : memref<1xi32, #tpu.memory_space<smem>>
      memref.store %add3A_231, %arg16[%swap3A_456] : memref<1xi32, #tpu.memory_space<smem>>
    } else {
    }
    %get3A_270 = arith.constant 0 : index
    %get3A_271 = arith.constant 0 : index
    %get3A_272 = vector.load %arg9[%get3A_270, %get3A_271] : memref<1000x256xf32, #tpu.memory_space<vmem>>, vector<1000x256xf32>
    %mul3A_273 = arith.constant 1000 : i32
    %mul3A_274 = arith.muli %arg0, %mul3A_273 : i32
    %add3A_275 = arith.constant 60000 : i32
    %add3A_276 = arith.addi %add3A_275, %mul3A_274 : i32
    %mul3A_277 = vector.broadcast %get3A_3 : vector<1x256xf32> to vector<1000x256xf32>
    %mul3A_278 = arith.mulf %get3A_272, %mul3A_277 : vector<1000x256xf32>
    %reduce_sum3A_279 = arith.constant dense<0.000000e+00> : vector<1000xf32>
    %reduce_sum3A_280 = vector.multi_reduction <add>, %mul3A_278, %reduce_sum3A_279 [1] : vector<1000x256xf32> to vector<1000xf32>
    %mul3A_281 = arith.mulf %get3A_272, %get3A_272 : vector<1000x256xf32>
    %reduce_sum3A_282 = arith.constant dense<0.000000e+00> : vector<1000xf32>
    %reduce_sum3A_283 = vector.multi_reduction <add>, %mul3A_281, %reduce_sum3A_282 [1] : vector<1000x256xf32> to vector<1000xf32>
    %abs3A_284 = math.absf %reduce_sum3A_280 : vector<1000xf32>
    %mul3A_285 = arith.mulf %reduce_sum3A_280, %abs3A_284 : vector<1000xf32>
    %mul3A_286 = vector.broadcast %reduce_sum3A_7 : f32 to vector<1000xf32>
    %mul3A_287 = arith.mulf %mul3A_286, %reduce_sum3A_283 : vector<1000xf32>
    %max3A_288 = arith.constant 1.000000e-16 : f32
    %max3A_289 = vector.broadcast %max3A_288 : f32 to vector<1000xf32>
    %max3A_290 = arith.maximumf %mul3A_287, %max3A_289 : vector<1000xf32>
    %div3A_291 = arith.divf %mul3A_285, %max3A_290 : vector<1000xf32>
    %reduce_max3A_292 = vector.shape_cast %div3A_291 : vector<1000xf32> to vector<1x1000xf32>
    %reduce_max3A_293 = arith.constant dense<0xFF800000> : vector<1xf32>
    %reduce_max3A_294 = vector.multi_reduction <maximumf>, %reduce_max3A_292, %reduce_max3A_293 [1] : vector<1x1000xf32> to vector<1xf32>
    %reduce_max3A_295 = vector.shape_cast %reduce_max3A_294 : vector<1xf32> to vector<1x1xf32>
    %reduce_max3A_296 = vector.extract %reduce_max3A_295[0, 0] : f32 from vector<1x1xf32>
    %add3A_297 = arith.constant 1000 : i32
    %add3A_298 = arith.addi %add3A_276, %add3A_297 : i32
    %le3A_299 = arith.cmpi sle, %add3A_298, %get3A_9 : i32
    %get3A_300 = arith.constant 0 : index
    %get3A_301 = memref.load %arg15[%get3A_300] : memref<1xf32, #tpu.memory_space<smem>>
    %gt3A_302 = arith.cmpf ogt, %reduce_max3A_296, %get3A_301 : f32
    %get3A_303 = arith.constant 0 : index
    %get3A_304 = memref.load %arg15[%get3A_303] : memref<1xf32, #tpu.memory_space<smem>>
    %eq3A_305 = arith.cmpf oeq, %reduce_max3A_296, %get3A_304 : f32
    %get3A_306 = arith.constant 0 : index
    %get3A_307 = memref.load %arg16[%get3A_306] : memref<1xi32, #tpu.memory_space<smem>>
    %lt3A_308 = arith.cmpi slt, %add3A_276, %get3A_307 : i32
    %and3A_309 = arith.andi %eq3A_305, %lt3A_308 : i1
    %or3A_310 = arith.ori %gt3A_302, %and3A_309 : i1
    %and3A_311 = arith.andi %le3A_299, %or3A_310 : i1
    %convert_element_type3A_312 = arith.extui %and3A_311 : i1 to i32
    %cond3A_313 = arith.constant 0 : i32
    %cond3A_314 = arith.cmpi ne, %convert_element_type3A_312, %cond3A_313 : i32
    scf.if %cond3A_314 {
      %swap3A = arith.constant 0 : index
      %swap3A_455 = memref.load %arg15[%swap3A] : memref<1xf32, #tpu.memory_space<smem>>
      memref.store %reduce_max3A_296, %arg15[%swap3A] : memref<1xf32, #tpu.memory_space<smem>>
      %swap3A_456 = arith.constant 0 : index
      %swap3A_457 = memref.load %arg16[%swap3A_456] : memref<1xi32, #tpu.memory_space<smem>>
      memref.store %add3A_276, %arg16[%swap3A_456] : memref<1xi32, #tpu.memory_space<smem>>
    } else {
    }
    %get3A_315 = arith.constant 0 : index
    %get3A_316 = arith.constant 0 : index
    %get3A_317 = vector.load %arg10[%get3A_315, %get3A_316] : memref<1000x256xf32, #tpu.memory_space<vmem>>, vector<1000x256xf32>
    %mul3A_318 = arith.constant 1000 : i32
    %mul3A_319 = arith.muli %arg0, %mul3A_318 : i32
    %add3A_320 = arith.constant 70000 : i32
    %add3A_321 = arith.addi %add3A_320, %mul3A_319 : i32
    %mul3A_322 = vector.broadcast %get3A_3 : vector<1x256xf32> to vector<1000x256xf32>
    %mul3A_323 = arith.mulf %get3A_317, %mul3A_322 : vector<1000x256xf32>
    %reduce_sum3A_324 = arith.constant dense<0.000000e+00> : vector<1000xf32>
    %reduce_sum3A_325 = vector.multi_reduction <add>, %mul3A_323, %reduce_sum3A_324 [1] : vector<1000x256xf32> to vector<1000xf32>
    %mul3A_326 = arith.mulf %get3A_317, %get3A_317 : vector<1000x256xf32>
    %reduce_sum3A_327 = arith.constant dense<0.000000e+00> : vector<1000xf32>
    %reduce_sum3A_328 = vector.multi_reduction <add>, %mul3A_326, %reduce_sum3A_327 [1] : vector<1000x256xf32> to vector<1000xf32>
    %abs3A_329 = math.absf %reduce_sum3A_325 : vector<1000xf32>
    %mul3A_330 = arith.mulf %reduce_sum3A_325, %abs3A_329 : vector<1000xf32>
    %mul3A_331 = vector.broadcast %reduce_sum3A_7 : f32 to vector<1000xf32>
    %mul3A_332 = arith.mulf %mul3A_331, %reduce_sum3A_328 : vector<1000xf32>
    %max3A_333 = arith.constant 1.000000e-16 : f32
    %max3A_334 = vector.broadcast %max3A_333 : f32 to vector<1000xf32>
    %max3A_335 = arith.maximumf %mul3A_332, %max3A_334 : vector<1000xf32>
    %div3A_336 = arith.divf %mul3A_330, %max3A_335 : vector<1000xf32>
    %reduce_max3A_337 = vector.shape_cast %div3A_336 : vector<1000xf32> to vector<1x1000xf32>
    %reduce_max3A_338 = arith.constant dense<0xFF800000> : vector<1xf32>
    %reduce_max3A_339 = vector.multi_reduction <maximumf>, %reduce_max3A_337, %reduce_max3A_338 [1] : vector<1x1000xf32> to vector<1xf32>
    %reduce_max3A_340 = vector.shape_cast %reduce_max3A_339 : vector<1xf32> to vector<1x1xf32>
    %reduce_max3A_341 = vector.extract %reduce_max3A_340[0, 0] : f32 from vector<1x1xf32>
    %add3A_342 = arith.constant 1000 : i32
    %add3A_343 = arith.addi %add3A_321, %add3A_342 : i32
    %le3A_344 = arith.cmpi sle, %add3A_343, %get3A_9 : i32
    %get3A_345 = arith.constant 0 : index
    %get3A_346 = memref.load %arg15[%get3A_345] : memref<1xf32, #tpu.memory_space<smem>>
    %gt3A_347 = arith.cmpf ogt, %reduce_max3A_341, %get3A_346 : f32
    %get3A_348 = arith.constant 0 : index
    %get3A_349 = memref.load %arg15[%get3A_348] : memref<1xf32, #tpu.memory_space<smem>>
    %eq3A_350 = arith.cmpf oeq, %reduce_max3A_341, %get3A_349 : f32
    %get3A_351 = arith.constant 0 : index
    %get3A_352 = memref.load %arg16[%get3A_351] : memref<1xi32, #tpu.memory_space<smem>>
    %lt3A_353 = arith.cmpi slt, %add3A_321, %get3A_352 : i32
    %and3A_354 = arith.andi %eq3A_350, %lt3A_353 : i1
    %or3A_355 = arith.ori %gt3A_347, %and3A_354 : i1
    %and3A_356 = arith.andi %le3A_344, %or3A_355 : i1
    %convert_element_type3A_357 = arith.extui %and3A_356 : i1 to i32
    %cond3A_358 = arith.constant 0 : i32
    %cond3A_359 = arith.cmpi ne, %convert_element_type3A_357, %cond3A_358 : i32
    scf.if %cond3A_359 {
      %swap3A = arith.constant 0 : index
      %swap3A_455 = memref.load %arg15[%swap3A] : memref<1xf32, #tpu.memory_space<smem>>
      memref.store %reduce_max3A_341, %arg15[%swap3A] : memref<1xf32, #tpu.memory_space<smem>>
      %swap3A_456 = arith.constant 0 : index
      %swap3A_457 = memref.load %arg16[%swap3A_456] : memref<1xi32, #tpu.memory_space<smem>>
      memref.store %add3A_321, %arg16[%swap3A_456] : memref<1xi32, #tpu.memory_space<smem>>
    } else {
    }
    %get3A_360 = arith.constant 0 : index
    %get3A_361 = arith.constant 0 : index
    %get3A_362 = vector.load %arg11[%get3A_360, %get3A_361] : memref<1000x256xf32, #tpu.memory_space<vmem>>, vector<1000x256xf32>
    %mul3A_363 = arith.constant 1000 : i32
    %mul3A_364 = arith.muli %arg0, %mul3A_363 : i32
    %add3A_365 = arith.constant 80000 : i32
    %add3A_366 = arith.addi %add3A_365, %mul3A_364 : i32
    %mul3A_367 = vector.broadcast %get3A_3 : vector<1x256xf32> to vector<1000x256xf32>
    %mul3A_368 = arith.mulf %get3A_362, %mul3A_367 : vector<1000x256xf32>
    %reduce_sum3A_369 = arith.constant dense<0.000000e+00> : vector<1000xf32>
    %reduce_sum3A_370 = vector.multi_reduction <add>, %mul3A_368, %reduce_sum3A_369 [1] : vector<1000x256xf32> to vector<1000xf32>
    %mul3A_371 = arith.mulf %get3A_362, %get3A_362 : vector<1000x256xf32>
    %reduce_sum3A_372 = arith.constant dense<0.000000e+00> : vector<1000xf32>
    %reduce_sum3A_373 = vector.multi_reduction <add>, %mul3A_371, %reduce_sum3A_372 [1] : vector<1000x256xf32> to vector<1000xf32>
    %abs3A_374 = math.absf %reduce_sum3A_370 : vector<1000xf32>
    %mul3A_375 = arith.mulf %reduce_sum3A_370, %abs3A_374 : vector<1000xf32>
    %mul3A_376 = vector.broadcast %reduce_sum3A_7 : f32 to vector<1000xf32>
    %mul3A_377 = arith.mulf %mul3A_376, %reduce_sum3A_373 : vector<1000xf32>
    %max3A_378 = arith.constant 1.000000e-16 : f32
    %max3A_379 = vector.broadcast %max3A_378 : f32 to vector<1000xf32>
    %max3A_380 = arith.maximumf %mul3A_377, %max3A_379 : vector<1000xf32>
    %div3A_381 = arith.divf %mul3A_375, %max3A_380 : vector<1000xf32>
    %reduce_max3A_382 = vector.shape_cast %div3A_381 : vector<1000xf32> to vector<1x1000xf32>
    %reduce_max3A_383 = arith.constant dense<0xFF800000> : vector<1xf32>
    %reduce_max3A_384 = vector.multi_reduction <maximumf>, %reduce_max3A_382, %reduce_max3A_383 [1] : vector<1x1000xf32> to vector<1xf32>
    %reduce_max3A_385 = vector.shape_cast %reduce_max3A_384 : vector<1xf32> to vector<1x1xf32>
    %reduce_max3A_386 = vector.extract %reduce_max3A_385[0, 0] : f32 from vector<1x1xf32>
    %add3A_387 = arith.constant 1000 : i32
    %add3A_388 = arith.addi %add3A_366, %add3A_387 : i32
    %le3A_389 = arith.cmpi sle, %add3A_388, %get3A_9 : i32
    %get3A_390 = arith.constant 0 : index
    %get3A_391 = memref.load %arg15[%get3A_390] : memref<1xf32, #tpu.memory_space<smem>>
    %gt3A_392 = arith.cmpf ogt, %reduce_max3A_386, %get3A_391 : f32
    %get3A_393 = arith.constant 0 : index
    %get3A_394 = memref.load %arg15[%get3A_393] : memref<1xf32, #tpu.memory_space<smem>>
    %eq3A_395 = arith.cmpf oeq, %reduce_max3A_386, %get3A_394 : f32
    %get3A_396 = arith.constant 0 : index
    %get3A_397 = memref.load %arg16[%get3A_396] : memref<1xi32, #tpu.memory_space<smem>>
    %lt3A_398 = arith.cmpi slt, %add3A_366, %get3A_397 : i32
    %and3A_399 = arith.andi %eq3A_395, %lt3A_398 : i1
    %or3A_400 = arith.ori %gt3A_392, %and3A_399 : i1
    %and3A_401 = arith.andi %le3A_389, %or3A_400 : i1
    %convert_element_type3A_402 = arith.extui %and3A_401 : i1 to i32
    %cond3A_403 = arith.constant 0 : i32
    %cond3A_404 = arith.cmpi ne, %convert_element_type3A_402, %cond3A_403 : i32
    scf.if %cond3A_404 {
      %swap3A = arith.constant 0 : index
      %swap3A_455 = memref.load %arg15[%swap3A] : memref<1xf32, #tpu.memory_space<smem>>
      memref.store %reduce_max3A_386, %arg15[%swap3A] : memref<1xf32, #tpu.memory_space<smem>>
      %swap3A_456 = arith.constant 0 : index
      %swap3A_457 = memref.load %arg16[%swap3A_456] : memref<1xi32, #tpu.memory_space<smem>>
      memref.store %add3A_366, %arg16[%swap3A_456] : memref<1xi32, #tpu.memory_space<smem>>
    } else {
    }
    %get3A_405 = arith.constant 0 : index
    %get3A_406 = arith.constant 0 : index
    %get3A_407 = vector.load %arg12[%get3A_405, %get3A_406] : memref<1000x256xf32, #tpu.memory_space<vmem>>, vector<1000x256xf32>
    %mul3A_408 = arith.constant 1000 : i32
    %mul3A_409 = arith.muli %arg0, %mul3A_408 : i32
    %add3A_410 = arith.constant 90000 : i32
    %add3A_411 = arith.addi %add3A_410, %mul3A_409 : i32
    %mul3A_412 = vector.broadcast %get3A_3 : vector<1x256xf32> to vector<1000x256xf32>
    %mul3A_413 = arith.mulf %get3A_407, %mul3A_412 : vector<1000x256xf32>
    %reduce_sum3A_414 = arith.constant dense<0.000000e+00> : vector<1000xf32>
    %reduce_sum3A_415 = vector.multi_reduction <add>, %mul3A_413, %reduce_sum3A_414 [1] : vector<1000x256xf32> to vector<1000xf32>
    %mul3A_416 = arith.mulf %get3A_407, %get3A_407 : vector<1000x256xf32>
    %reduce_sum3A_417 = arith.constant dense<0.000000e+00> : vector<1000xf32>
    %reduce_sum3A_418 = vector.multi_reduction <add>, %mul3A_416, %reduce_sum3A_417 [1] : vector<1000x256xf32> to vector<1000xf32>
    %abs3A_419 = math.absf %reduce_sum3A_415 : vector<1000xf32>
    %mul3A_420 = arith.mulf %reduce_sum3A_415, %abs3A_419 : vector<1000xf32>
    %mul3A_421 = vector.broadcast %reduce_sum3A_7 : f32 to vector<1000xf32>
    %mul3A_422 = arith.mulf %mul3A_421, %reduce_sum3A_418 : vector<1000xf32>
    %max3A_423 = arith.constant 1.000000e-16 : f32
    %max3A_424 = vector.broadcast %max3A_423 : f32 to vector<1000xf32>
    %max3A_425 = arith.maximumf %mul3A_422, %max3A_424 : vector<1000xf32>
    %div3A_426 = arith.divf %mul3A_420, %max3A_425 : vector<1000xf32>
    %reduce_max3A_427 = vector.shape_cast %div3A_426 : vector<1000xf32> to vector<1x1000xf32>
    %reduce_max3A_428 = arith.constant dense<0xFF800000> : vector<1xf32>
    %reduce_max3A_429 = vector.multi_reduction <maximumf>, %reduce_max3A_427, %reduce_max3A_428 [1] : vector<1x1000xf32> to vector<1xf32>
    %reduce_max3A_430 = vector.shape_cast %reduce_max3A_429 : vector<1xf32> to vector<1x1xf32>
    %reduce_max3A_431 = vector.extract %reduce_max3A_430[0, 0] : f32 from vector<1x1xf32>
    %add3A_432 = arith.constant 1000 : i32
    %add3A_433 = arith.addi %add3A_411, %add3A_432 : i32
    %le3A_434 = arith.cmpi sle, %add3A_433, %get3A_9 : i32
    %get3A_435 = arith.constant 0 : index
    %get3A_436 = memref.load %arg15[%get3A_435] : memref<1xf32, #tpu.memory_space<smem>>
    %gt3A_437 = arith.cmpf ogt, %reduce_max3A_431, %get3A_436 : f32
    %get3A_438 = arith.constant 0 : index
    %get3A_439 = memref.load %arg15[%get3A_438] : memref<1xf32, #tpu.memory_space<smem>>
    %eq3A_440 = arith.cmpf oeq, %reduce_max3A_431, %get3A_439 : f32
    %get3A_441 = arith.constant 0 : index
    %get3A_442 = memref.load %arg16[%get3A_441] : memref<1xi32, #tpu.memory_space<smem>>
    %lt3A_443 = arith.cmpi slt, %add3A_411, %get3A_442 : i32
    %and3A_444 = arith.andi %eq3A_440, %lt3A_443 : i1
    %or3A_445 = arith.ori %gt3A_437, %and3A_444 : i1
    %and3A_446 = arith.andi %le3A_434, %or3A_445 : i1
    %convert_element_type3A_447 = arith.extui %and3A_446 : i1 to i32
    %cond3A_448 = arith.constant 0 : i32
    %cond3A_449 = arith.cmpi ne, %convert_element_type3A_447, %cond3A_448 : i32
    scf.if %cond3A_449 {
      %swap3A = arith.constant 0 : index
      %swap3A_455 = memref.load %arg15[%swap3A] : memref<1xf32, #tpu.memory_space<smem>>
      memref.store %reduce_max3A_431, %arg15[%swap3A] : memref<1xf32, #tpu.memory_space<smem>>
      %swap3A_456 = arith.constant 0 : index
      %swap3A_457 = memref.load %arg16[%swap3A_456] : memref<1xi32, #tpu.memory_space<smem>>
      memref.store %add3A_411, %arg16[%swap3A_456] : memref<1xi32, #tpu.memory_space<smem>>
    } else {
    }
    %eq3A_450 = arith.constant 9 : i32
    %eq3A_451 = arith.cmpi eq, %arg0, %eq3A_450 : i32
    %convert_element_type3A_452 = arith.extui %eq3A_451 : i1 to i32
    %cond3A_453 = arith.constant 0 : i32
    %cond3A_454 = arith.cmpi ne, %convert_element_type3A_452, %cond3A_453 : i32
    scf.if %cond3A_454 {
      %get3A_455 = arith.constant 0 : index
      %get3A_456 = memref.load %arg16[%get3A_455] : memref<1xi32, #tpu.memory_space<smem>>
      %multiple_of3A = tpu.assume_multiple %get3A_456, 8 : i32
      %jit3A = arith.constant 1000 : i32
      %div3A_457 = arith.divsi %get3A_9, %jit3A : i32
      %sign3A = arith.constant 0 : i32
      %sign3A_458 = arith.cmpi sgt, %get3A_9, %sign3A : i32
      %sign3A_459 = arith.extui %sign3A_458 : i1 to i32
      %sign3A_460 = arith.constant 0 : i32
      %sign3A_461 = arith.cmpi slt, %get3A_9, %sign3A_460 : i32
      %sign3A_462 = arith.extui %sign3A_461 : i1 to i32
      %sign3A_463 = arith.subi %sign3A_459, %sign3A_462 : i32
      %sign3A_464 = arith.constant 0 : i32
      %sign3A_465 = arith.cmpi sgt, %jit3A, %sign3A_464 : i32
      %sign3A_466 = arith.extui %sign3A_465 : i1 to i32
      %sign3A_467 = arith.constant 0 : i32
      %sign3A_468 = arith.cmpi slt, %jit3A, %sign3A_467 : i32
      %sign3A_469 = arith.extui %sign3A_468 : i1 to i32
      %sign3A_470 = arith.subi %sign3A_466, %sign3A_469 : i32
      %ne3A = arith.cmpi ne, %sign3A_463, %sign3A_470 : i32
      %rem3A = arith.remsi %get3A_9, %jit3A : i32
      %ne3A_471 = arith.constant 0 : i32
      %ne3A_472 = arith.cmpi ne, %rem3A, %ne3A_471 : i32
      %and3A_473 = arith.andi %ne3A, %ne3A_472 : i1
      %sub3A = arith.constant 1 : i32
      %sub3A_474 = arith.subi %div3A_457, %sub3A : i32
      %select_n3A = arith.select %and3A_473, %sub3A_474, %div3A_457 : i32
      %mul3A_475 = arith.constant 1000 : i32
      %mul3A_476 = arith.muli %select_n3A, %mul3A_475 : i32
      %min3A = arith.constant 99000 : i32
      %min3A_477 = arith.minsi %mul3A_476, %min3A : i32
      %multiple_of3A_478 = tpu.assume_multiple %min3A_477, 8 : i32
      %dma_start3A = arith.constant 0 : i32
      %dma_start3A_479 = tpu.memref_slice %arg13[%multiple_of3A, %dma_start3A] : memref<100000x512xf32, #tpu.memory_space<any>> -> memref<1000x256xf32, #tpu.memory_space<any>>
      tpu.enqueue_dma source(%dma_start3A_479 : memref<1000x256xf32, #tpu.memory_space<any>>) target(%arg17 : memref<1000x256xf32, #tpu.memory_space<vmem>>) target_semaphore(%arg19 : memref<!tpu.dma_semaphore, #tpu.memory_space<semaphore_mem>>)
      %dma_start3A_480 = arith.constant 0 : i32
      %dma_start3A_481 = tpu.memref_slice %arg13[%multiple_of3A_478, %dma_start3A_480] : memref<100000x512xf32, #tpu.memory_space<any>> -> memref<1000x256xf32, #tpu.memory_space<any>>
      tpu.enqueue_dma source(%dma_start3A_481 : memref<1000x256xf32, #tpu.memory_space<any>>) target(%arg18 : memref<1000x256xf32, #tpu.memory_space<vmem>>) target_semaphore(%arg20 : memref<!tpu.dma_semaphore, #tpu.memory_space<semaphore_mem>>)
      %dma_wait3A = arith.constant 0 : i32
      %dma_wait3A_482 = tpu.memref_slice %arg13[%multiple_of3A, %dma_wait3A] : memref<100000x512xf32, #tpu.memory_space<any>> -> memref<1000x256xf32, #tpu.memory_space<any>>
      tpu.wait_dma2 semaphore(%arg19 : memref<!tpu.dma_semaphore, #tpu.memory_space<semaphore_mem>>) src(%dma_wait3A_482 : memref<1000x256xf32, #tpu.memory_space<any>>) dst(%arg17 : memref<1000x256xf32, #tpu.memory_space<vmem>>)
      %dma_wait3A_483 = arith.constant 0 : i32
      %dma_wait3A_484 = tpu.memref_slice %arg13[%multiple_of3A_478, %dma_wait3A_483] : memref<100000x512xf32, #tpu.memory_space<any>> -> memref<1000x256xf32, #tpu.memory_space<any>>
      tpu.wait_dma2 semaphore(%arg20 : memref<!tpu.dma_semaphore, #tpu.memory_space<semaphore_mem>>) src(%dma_wait3A_484 : memref<1000x256xf32, #tpu.memory_space<any>>) dst(%arg18 : memref<1000x256xf32, #tpu.memory_space<vmem>>)
      %get3A_485 = arith.constant 0 : index
      %get3A_486 = arith.constant 0 : index
      %get3A_487 = vector.load %arg17[%get3A_485, %get3A_486] : memref<1000x256xf32, #tpu.memory_space<vmem>>, vector<1000x256xf32>
      %mul3A_488 = vector.broadcast %get3A_3 : vector<1x256xf32> to vector<1000x256xf32>
      %mul3A_489 = arith.mulf %get3A_487, %mul3A_488 : vector<1000x256xf32>
      %reduce_sum3A_490 = arith.constant dense<0.000000e+00> : vector<1000xf32>
      %reduce_sum3A_491 = vector.multi_reduction <add>, %mul3A_489, %reduce_sum3A_490 [1] : vector<1000x256xf32> to vector<1000xf32>
      %mul3A_492 = arith.mulf %get3A_487, %get3A_487 : vector<1000x256xf32>
      %reduce_sum3A_493 = arith.constant dense<0.000000e+00> : vector<1000xf32>
      %reduce_sum3A_494 = vector.multi_reduction <add>, %mul3A_492, %reduce_sum3A_493 [1] : vector<1000x256xf32> to vector<1000xf32>
      %abs3A_495 = math.absf %reduce_sum3A_491 : vector<1000xf32>
      %mul3A_496 = arith.mulf %reduce_sum3A_491, %abs3A_495 : vector<1000xf32>
      %mul3A_497 = vector.broadcast %reduce_sum3A_7 : f32 to vector<1000xf32>
      %mul3A_498 = arith.mulf %mul3A_497, %reduce_sum3A_494 : vector<1000xf32>
      %max3A_499 = arith.constant 1.000000e-16 : f32
      %max3A_500 = vector.broadcast %max3A_499 : f32 to vector<1000xf32>
      %max3A_501 = arith.maximumf %mul3A_498, %max3A_500 : vector<1000xf32>
      %div3A_502 = arith.divf %mul3A_496, %max3A_501 : vector<1000xf32>
      %iota3A = tpu.iota {dimensions = array<i32: 1>} : vector<1x1000xi32>
      %iota3A_503 = vector.shape_cast %iota3A : vector<1x1000xi32> to vector<1000xi32>
      %add3A_504 = vector.broadcast %multiple_of3A : i32 to vector<1000xi32>
      %add3A_505 = arith.addi %add3A_504, %iota3A_503 : vector<1000xi32>
      %lt3A_506 = vector.broadcast %get3A_9 : i32 to vector<1000xi32>
      %lt3A_507 = arith.cmpi slt, %add3A_505, %lt3A_506 : vector<1000xi32>
      %jit3A_508 = arith.constant 0xFF800000 : f32
      %broadcast_in_dim3A = vector.broadcast %jit3A_508 : f32 to vector<1000xf32>
      %select_n3A_509 = arith.select %lt3A_507, %div3A_502, %broadcast_in_dim3A : vector<1000xi1>, vector<1000xf32>
      %reduce_max3A_510 = vector.shape_cast %select_n3A_509 : vector<1000xf32> to vector<1x1000xf32>
      %reduce_max3A_511 = arith.constant dense<0xFF800000> : vector<1xf32>
      %reduce_max3A_512 = vector.multi_reduction <maximumf>, %reduce_max3A_510, %reduce_max3A_511 [1] : vector<1x1000xf32> to vector<1xf32>
      %reduce_max3A_513 = vector.shape_cast %reduce_max3A_512 : vector<1xf32> to vector<1x1xf32>
      %reduce_max3A_514 = vector.extract %reduce_max3A_513[0, 0] : f32 from vector<1x1xf32>
      %argmax3A = vector.shape_cast %select_n3A_509 : vector<1000xf32> to vector<1x1000xf32>
      %argmax3A_515 = tpu.reduce_index %argmax3A {axis = 1 : i32, kind = #tpu.reduction_kind<arg_max>} : vector<1x1000xf32> -> vector<1xi32>
      %argmax3A_516 = vector.extract %argmax3A_515[0] : i32 from vector<1xi32>
      %add3A_517 = arith.addi %multiple_of3A, %argmax3A_516 : i32
      %get3A_518 = arith.constant 0 : index
      %get3A_519 = arith.constant 0 : index
      %get3A_520 = vector.load %arg18[%get3A_518, %get3A_519] : memref<1000x256xf32, #tpu.memory_space<vmem>>, vector<1000x256xf32>
      %mul3A_521 = vector.broadcast %get3A_3 : vector<1x256xf32> to vector<1000x256xf32>
      %mul3A_522 = arith.mulf %get3A_520, %mul3A_521 : vector<1000x256xf32>
      %reduce_sum3A_523 = arith.constant dense<0.000000e+00> : vector<1000xf32>
      %reduce_sum3A_524 = vector.multi_reduction <add>, %mul3A_522, %reduce_sum3A_523 [1] : vector<1000x256xf32> to vector<1000xf32>
      %mul3A_525 = arith.mulf %get3A_520, %get3A_520 : vector<1000x256xf32>
      %reduce_sum3A_526 = arith.constant dense<0.000000e+00> : vector<1000xf32>
      %reduce_sum3A_527 = vector.multi_reduction <add>, %mul3A_525, %reduce_sum3A_526 [1] : vector<1000x256xf32> to vector<1000xf32>
      %abs3A_528 = math.absf %reduce_sum3A_524 : vector<1000xf32>
      %mul3A_529 = arith.mulf %reduce_sum3A_524, %abs3A_528 : vector<1000xf32>
      %mul3A_530 = vector.broadcast %reduce_sum3A_7 : f32 to vector<1000xf32>
      %mul3A_531 = arith.mulf %mul3A_530, %reduce_sum3A_527 : vector<1000xf32>
      %max3A_532 = arith.constant 1.000000e-16 : f32
      %max3A_533 = vector.broadcast %max3A_532 : f32 to vector<1000xf32>
      %max3A_534 = arith.maximumf %mul3A_531, %max3A_533 : vector<1000xf32>
      %div3A_535 = arith.divf %mul3A_529, %max3A_534 : vector<1000xf32>
      %iota3A_536 = tpu.iota {dimensions = array<i32: 1>} : vector<1x1000xi32>
      %iota3A_537 = vector.shape_cast %iota3A_536 : vector<1x1000xi32> to vector<1000xi32>
      %add3A_538 = vector.broadcast %multiple_of3A_478 : i32 to vector<1000xi32>
      %add3A_539 = arith.addi %add3A_538, %iota3A_537 : vector<1000xi32>
      %lt3A_540 = vector.broadcast %get3A_9 : i32 to vector<1000xi32>
      %lt3A_541 = arith.cmpi slt, %add3A_539, %lt3A_540 : vector<1000xi32>
      %jit3A_542 = arith.constant 0xFF800000 : f32
      %broadcast_in_dim3A_543 = vector.broadcast %jit3A_542 : f32 to vector<1000xf32>
      %select_n3A_544 = arith.select %lt3A_541, %div3A_535, %broadcast_in_dim3A_543 : vector<1000xi1>, vector<1000xf32>
      %reduce_max3A_545 = vector.shape_cast %select_n3A_544 : vector<1000xf32> to vector<1x1000xf32>
      %reduce_max3A_546 = arith.constant dense<0xFF800000> : vector<1xf32>
      %reduce_max3A_547 = vector.multi_reduction <maximumf>, %reduce_max3A_545, %reduce_max3A_546 [1] : vector<1x1000xf32> to vector<1xf32>
      %reduce_max3A_548 = vector.shape_cast %reduce_max3A_547 : vector<1xf32> to vector<1x1xf32>
      %reduce_max3A_549 = vector.extract %reduce_max3A_548[0, 0] : f32 from vector<1x1xf32>
      %argmax3A_550 = vector.shape_cast %select_n3A_544 : vector<1000xf32> to vector<1x1000xf32>
      %argmax3A_551 = tpu.reduce_index %argmax3A_550 {axis = 1 : i32, kind = #tpu.reduction_kind<arg_max>} : vector<1x1000xf32> -> vector<1xi32>
      %argmax3A_552 = vector.extract %argmax3A_551[0] : i32 from vector<1xi32>
      %add3A_553 = arith.addi %multiple_of3A_478, %argmax3A_552 : i32
      %gt3A_554 = arith.cmpf ogt, %reduce_max3A_549, %reduce_max3A_514 : f32
      %eq3A_555 = arith.cmpf oeq, %reduce_max3A_549, %reduce_max3A_514 : f32
      %lt3A_556 = arith.cmpi slt, %add3A_553, %add3A_517 : i32
      %and3A_557 = arith.andi %eq3A_555, %lt3A_556 : i1
      %or3A_558 = arith.ori %gt3A_554, %and3A_557 : i1
      %select_n3A_559 = arith.select %or3A_558, %add3A_553, %add3A_517 : i32
      %swap3A = arith.constant 0 : index
      %swap3A_560 = memref.load %arg14[%swap3A] : memref<8xi32, #tpu.memory_space<smem>>
      memref.store %select_n3A_559, %arg14[%swap3A] : memref<8xi32, #tpu.memory_space<smem>>
      %swap3A_561 = arith.constant 1 : index
      %swap3A_562 = memref.load %arg14[%swap3A_561] : memref<8xi32, #tpu.memory_space<smem>>
      memref.store %select_n3A_559, %arg14[%swap3A_561] : memref<8xi32, #tpu.memory_space<smem>>
      %swap3A_563 = arith.constant 2 : index
      %swap3A_564 = memref.load %arg14[%swap3A_563] : memref<8xi32, #tpu.memory_space<smem>>
      memref.store %select_n3A_559, %arg14[%swap3A_563] : memref<8xi32, #tpu.memory_space<smem>>
      %swap3A_565 = arith.constant 3 : index
      %swap3A_566 = memref.load %arg14[%swap3A_565] : memref<8xi32, #tpu.memory_space<smem>>
      memref.store %select_n3A_559, %arg14[%swap3A_565] : memref<8xi32, #tpu.memory_space<smem>>
      %swap3A_567 = arith.constant 4 : index
      %swap3A_568 = memref.load %arg14[%swap3A_567] : memref<8xi32, #tpu.memory_space<smem>>
      memref.store %select_n3A_559, %arg14[%swap3A_567] : memref<8xi32, #tpu.memory_space<smem>>
      %swap3A_569 = arith.constant 5 : index
      %swap3A_570 = memref.load %arg14[%swap3A_569] : memref<8xi32, #tpu.memory_space<smem>>
      memref.store %select_n3A_559, %arg14[%swap3A_569] : memref<8xi32, #tpu.memory_space<smem>>
      %swap3A_571 = arith.constant 6 : index
      %swap3A_572 = memref.load %arg14[%swap3A_571] : memref<8xi32, #tpu.memory_space<smem>>
      memref.store %select_n3A_559, %arg14[%swap3A_571] : memref<8xi32, #tpu.memory_space<smem>>
      %swap3A_573 = arith.constant 7 : index
      %swap3A_574 = memref.load %arg14[%swap3A_573] : memref<8xi32, #tpu.memory_space<smem>>
      memref.store %select_n3A_559, %arg14[%swap3A_573] : memref<8xi32, #tpu.memory_space<smem>>
    } else {
    }
    return
  }
  func.func @transform_0(%arg0: i32, %arg1: memref<1xi32, #tpu.memory_space<smem>>) -> (i32, i32) {
    %c0_i32 = arith.constant 0 : i32
    %c0_i32_0 = arith.constant 0 : i32
    %c0_i32_1 = arith.constant 0 : i32
    return %c0_i32, %c0_i32_0 : i32, i32
  }
  func.func @transform_1(%arg0: i32, %arg1: memref<1xi32, #tpu.memory_space<smem>>) -> (i32, i32) {
    %add3A = arith.constant 0 : i32
    %add3A_0 = arith.addi %add3A, %arg0 : i32
    %c0_i32 = arith.constant 0 : i32
    %c0_i32_1 = arith.constant 0 : i32
    return %add3A_0, %c0_i32 : i32, i32
  }
  func.func @transform_2(%arg0: i32, %arg1: memref<1xi32, #tpu.memory_space<smem>>) -> (i32, i32) {
    %add3A = arith.constant 10 : i32
    %add3A_0 = arith.addi %add3A, %arg0 : i32
    %c0_i32 = arith.constant 0 : i32
    %c0_i32_1 = arith.constant 0 : i32
    return %add3A_0, %c0_i32 : i32, i32
  }
  func.func @transform_3(%arg0: i32, %arg1: memref<1xi32, #tpu.memory_space<smem>>) -> (i32, i32) {
    %add3A = arith.constant 20 : i32
    %add3A_0 = arith.addi %add3A, %arg0 : i32
    %c0_i32 = arith.constant 0 : i32
    %c0_i32_1 = arith.constant 0 : i32
    return %add3A_0, %c0_i32 : i32, i32
  }
  func.func @transform_4(%arg0: i32, %arg1: memref<1xi32, #tpu.memory_space<smem>>) -> (i32, i32) {
    %add3A = arith.constant 30 : i32
    %add3A_0 = arith.addi %add3A, %arg0 : i32
    %c0_i32 = arith.constant 0 : i32
    %c0_i32_1 = arith.constant 0 : i32
    return %add3A_0, %c0_i32 : i32, i32
  }
  func.func @transform_5(%arg0: i32, %arg1: memref<1xi32, #tpu.memory_space<smem>>) -> (i32, i32) {
    %add3A = arith.constant 40 : i32
    %add3A_0 = arith.addi %add3A, %arg0 : i32
    %c0_i32 = arith.constant 0 : i32
    %c0_i32_1 = arith.constant 0 : i32
    return %add3A_0, %c0_i32 : i32, i32
  }
  func.func @transform_6(%arg0: i32, %arg1: memref<1xi32, #tpu.memory_space<smem>>) -> (i32, i32) {
    %add3A = arith.constant 50 : i32
    %add3A_0 = arith.addi %add3A, %arg0 : i32
    %c0_i32 = arith.constant 0 : i32
    %c0_i32_1 = arith.constant 0 : i32
    return %add3A_0, %c0_i32 : i32, i32
  }
  func.func @transform_7(%arg0: i32, %arg1: memref<1xi32, #tpu.memory_space<smem>>) -> (i32, i32) {
    %add3A = arith.constant 60 : i32
    %add3A_0 = arith.addi %add3A, %arg0 : i32
    %c0_i32 = arith.constant 0 : i32
    %c0_i32_1 = arith.constant 0 : i32
    return %add3A_0, %c0_i32 : i32, i32
  }
  func.func @transform_8(%arg0: i32, %arg1: memref<1xi32, #tpu.memory_space<smem>>) -> (i32, i32) {
    %add3A = arith.constant 70 : i32
    %add3A_0 = arith.addi %add3A, %arg0 : i32
    %c0_i32 = arith.constant 0 : i32
    %c0_i32_1 = arith.constant 0 : i32
    return %add3A_0, %c0_i32 : i32, i32
  }
  func.func @transform_9(%arg0: i32, %arg1: memref<1xi32, #tpu.memory_space<smem>>) -> (i32, i32) {
    %add3A = arith.constant 80 : i32
    %add3A_0 = arith.addi %add3A, %arg0 : i32
    %c0_i32 = arith.constant 0 : i32
    %c0_i32_1 = arith.constant 0 : i32
    return %add3A_0, %c0_i32 : i32, i32
  }
  func.func @transform_10(%arg0: i32, %arg1: memref<1xi32, #tpu.memory_space<smem>>) -> (i32, i32) {
    %add3A = arith.constant 90 : i32
    %add3A_0 = arith.addi %add3A, %arg0 : i32
    %c0_i32 = arith.constant 0 : i32
    %c0_i32_1 = arith.constant 0 : i32
    return %add3A_0, %c0_i32 : i32, i32
  }
  func.func @transform_12(%arg0: i32, %arg1: memref<1xi32, #tpu.memory_space<smem>>) -> i32 {
    %c0_i32 = arith.constant 0 : i32
    %c0_i32_0 = arith.constant 0 : i32
    return %c0_i32 : i32
  }
}

</mosaic_0001>

<sc_bundles>
// kernel: kernel.4.cloned.1.call-start
scs
__scs_entry_jumppad:
0x0: {  	(pc) =	sbr.rel $0x88, $3  }
0x1: {  	(tag) =	ssettag $0x0;
	lr =	simm.s32 $0x1  }
0x2: {  	[smem:$0x3F9E] =	sst lr;
	_ =	strace $0xD0000000  }
0x3: {  	_ = 	snop  }
0x4: {  	_ = 	snop  }
0x5: {  	_ = 	snop  }
0x6: {  	_ = 	snop  }
0x7: {  	_ = 	snop  }
__scs_overlays_trampoline_lowered:
0x8: {  	[smem:$0x3FAD] =	sst s0  }
0x9: {  	[smem:$0x3FAE] =	sst s1  }
0xa: {  	[smem:$0x3FAF] =	sst s2  }
0xb: {  	[smem:$0x3FB0] =	sst s3  }
0xc: {  	[smem:$0x3FB1] =	sst s4  }
0xd: {  	[smem:$0x3FB2] =	sst s5  }
0xe: {  	[smem:$0x3FB3] =	sst s6  }
0xf: {  	[smem:$0x3FB4] =	sst s7  }
0x10: {  	[smem:$0x3FB5] =	sst s8  }
0x11: {  	[smem:$0x3FB6] =	sst s9;
	s0 =	simm.s32 @!p0 $0x0  }
0x12: {  	s1 =	sld [smem:$0x3F9C];
	s0 =	simm.s32 @p0 $0x1  }
0x13: {  	[smem:$0x3FB7] =	sst s0;
	s0 =	simm.s32 @!p1 $0x0  }
0x14: {  	s2 =	sld [smem:$0x3F9B];
	s0 =	simm.s32 @p1 $0x1  }
0x15: {  	[smem:$0x3FB8] =	sst s0;
	s0 =	simm.s32 @!p2 $0x0  }
0x16: {  	s3 =	sld [smem:$0x3FDB];
	s0 =	simm.s32 @p2 $0x1  }
0x17: {  	s4 =	simm.s32 $0x1BF5;
	[smem:$0x3FBA] =	sst s0  }
0x18: {  	s0 =	sld [smem:$0x3F9D];
	_ =	swait.ge [sflag:s4], $0x0  }
0x19: {  	s7 =	sld [smem:$0x3F9E]  }
0x1a: {  	s8 =	sadd.s32 $0xFFFFE003, lr  }
0x1b: {  	s9 =	sadd.s32 $0xFFFFFEF7, lr;
	s5 =	simm.s32 $0xFFFFFFFF;
	p2 =	slt.u32 s8, $0xFFFFF086  }
0x1c: {  	p1 =	slt.u32 s9, $0xF7A;
	s5 =	simm.s32 @!p2 $0x0  }
0x1d: {  	s5 =	simm.s32 @p1 $0x1;
	p0 =	seq.s32 s7, s2  }
0x1e: {  	s7 =	smul.u32 @!p0 $0xF7A, s2;
	p2 =	seq.s32 @!p0 s5, $0x0  }
0x1f: {  	s9 =	smul.u32 $0xF7A, s1;
	s8 =	simm.s32 @!p0 $0x1BF5;
	p2 =	por !p2, p0  }
0x20: {  	[sflag:s8] =	ssyncset.s32 @!p0 $0xFFFFF086;
	s6 =	sadd.s32 @!p0 s3, s7;
	s7 =	simm.s32 @!p0 $0x108  }
0x21: {  	s3 =	sadd.s32 s3, s9;
	s6 =	sadd.s32 @!p0 $0x88, s6;
	s7 =	simm.s32 @p2 $0x1082  }
0x22: {  	[simem:s7], [sflag:s8] =	dma.local @!p0 [hbm:s6], $0xF7A  }
0x23: {  	s9 =	sor.u32 $0xD0000000, s2;
	s6 =	simm.s32 $0x108;
	_ =	swait.ge @!p0 [sflag:s8], $0x0  }
0x24: {  	s3 =	sadd.s32 $0x88, s3;
	s6 =	simm.s32 @!p1 $0x1082;
	[sflag:s4] =	ssyncset.s32 $0xFFFFF086  }
0x25: {  	[simem:s6], [sflag:s4] =	dma.local [hbm:s3], $0xF7A  }
0x26: {  	[smem:$0x3F9E] =	sst s1;
	(tag) =	ssettag s2;
	_ =	strace s9  }
0x27: {  	s1 =	sld [smem:$0x3FAE]  }
0x28: {  	s2 =	sld [smem:$0x3FAF]  }
0x29: {  	s4 =	sld [smem:$0x3FB1]  }
0x2a: {  	p0 =	seq.s32 s5, $0x0;
	s5 =	sld [smem:$0x3FB2]  }
0x2b: {  	s6 =	sld [smem:$0x3FB3]  }
0x2c: {  	s7 =	sld [smem:$0x3FB4]  }
0x2d: {  	s3 =	simm.s32 $0x108;
	s8 =	sld [smem:$0x3FB5]  }
0x2e: {  	s3 =	simm.s32 @!p0 $0x1082;
	s9 =	sld [smem:$0x3FB6]  }
0x2f: {  	lr =	sadd.s32 s0, s3;
	s0 =	sld [smem:$0x3FAD]  }
0x30: {  	s3 =	sld [smem:$0x3FB0]  }
0x31: {  	[smem:$0x3FB9] =	sst s10  }
0x32: {  	s10 =	sld [smem:$0x3FB7];
	_ =	sdelay $0x3  }
0x33: {  	p0 =	seq.s32 s10, $0x1;
	s10 =	sld [smem:$0x3FB9];
	_ =	sdelay $0x3  }
0x34: {  	[smem:$0x3FB9] =	sst s10  }
0x35: {  	s10 =	sld [smem:$0x3FB8];
	_ =	sdelay $0x3  }
0x36: {  	p1 =	seq.s32 s10, $0x1;
	s10 =	sld [smem:$0x3FB9];
	_ =	sdelay $0x3  }
0x37: {  	[smem:$0x3FB9] =	sst s10  }
0x38: {  	s10 =	sld [smem:$0x3FBA]  }
0x39: {  	_ = 	snop;
	(pc) =	sbr.ind lr, $3  }
0x3a: {  	_ = 	snop  }
0x3b: {  	_ = 	snop  }
0x3c: {  	p2 =	seq.s32 s10, $0x1;
	s10 =	sld [smem:$0x3FB9]  }
0x3d: {  	_ =	shalt  }
0x3e: {  	_ =	shalt  }
0x3f: {  	_ =	shalt  }
0x40: {  	_ =	shalt  }
0x41: {  	_ =	shalt  }
0x42: {  	_ =	shalt  }
0x43: {  	_ =	shalt  }
0x44: {  	_ =	shalt  }
0x45: {  	_ =	shalt  }
0x46: {  	_ =	shalt  }
0x47: {  	_ =	shalt  }
0x48: {  	_ =	shalt  }
0x49: {  	_ =	shalt  }
0x4a: {  	_ =	shalt  }
0x4b: {  	_ =	shalt  }
0x4c: {  	_ =	shalt  }
0x4d: {  	_ =	shalt  }
0x4e: {  	_ =	shalt  }
0x4f: {  	_ =	shalt  }
0x50: {  	_ =	shalt  }
0x51: {  	_ =	shalt  }
0x52: {  	_ =	shalt  }
0x53: {  	_ =	shalt  }
0x54: {  	_ =	shalt  }
0x55: {  	_ =	shalt  }
0x56: {  	_ =	shalt  }
0x57: {  	_ =	shalt  }
0x58: {  	_ =	shalt  }
0x59: {  	_ =	shalt  }
0x5a: {  	_ =	shalt  }
0x5b: {  	_ =	shalt  }
0x5c: {  	_ =	shalt  }
0x5d: {  	_ =	shalt  }
0x5e: {  	_ =	shalt  }
0x5f: {  	_ =	shalt  }
0x60: {  	_ =	shalt  }
0x61: {  	_ =	shalt  }
0x62: {  	_ =	shalt  }
0x63: {  	_ =	shalt  }
0x64: {  	_ =	shalt  }
0x65: {  	_ =	shalt  }
0x66: {  	_ =	shalt  }
0x67: {  	_ =	shalt  }
0x68: {  	_ =	shalt  }
0x69: {  	_ =	shalt  }
0x6a: {  	_ =	shalt  }
0x6b: {  	_ =	shalt  }
0x6c: {  	_ =	shalt  }
0x6d: {  	_ =	shalt  }
0x6e: {  	_ =	shalt  }
0x6f: {  	_ =	shalt  }
0x70: {  	_ =	shalt  }
0x71: {  	_ =	shalt  }
0x72: {  	_ =	shalt  }
0x73: {  	_ =	shalt  }
0x74: {  	_ =	shalt  }
0x75: {  	_ =	shalt  }
0x76: {  	_ =	shalt  }
0x77: {  	_ =	shalt  }
0x78: {  	_ =	shalt  }
0x79: {  	_ =	shalt  }
0x7a: {  	_ =	shalt  }
0x7b: {  	_ =	shalt  }
0x7c: {  	_ =	shalt  }
0x7d: {  	_ =	shalt  }
0x7e: {  	_ =	shalt  }
0x7f: {  	_ =	shalt  }
0x80: {  	_ =	shalt  }
0x81: {  	_ =	shalt  }
0x82: {  	_ =	shalt  }
0x83: {  	_ =	shalt  }
0x84: {  	_ =	shalt  }
0x85: {  	_ =	shalt  }
0x86: {  	_ =	shalt  }
0x87: {  	_ =	shalt  }
.Lfunc_end0:
.L_simem_size_0:
called_computation_lowered:
.L_overlay_start_0:
0x88: {  	s2 =	sld [smem:$0x3FD9]  }
0x89: {  	s3 =	sld [smem:$0x3FFE];
	_ =	sdelay $0x1  }
0x8a: {  	s1 =	srdreg.scid  }
0x8b: {  	s0 =	sand.u32 $0x1, s1  }
0x8c: {  	s17 =	sshll.u32 s0, $0xA;
	s2 =	sadd.s32 s3, s2  }
0x8d: {  	s2 =	sadd.s32 s2, s17  }
0x8e: {  	[smem:$0x3FC5] =	sst s2  }
0x8f: {  	_ = 	snop  }
0x90: {  	s2 =	sld [smem:$0x3FC8]  }
0x91: {  	s18 =	sld [smem:$0x3FD0];
	(tm) =	ssettm $0x1  }
0x92: {  	s4 =	sld [smem:$0x3FFB];
	_ =	sdelay $0x3  }
0x93: {  	_ =	strace s4  }
0x94: {  	s4 =	sld [smem:$0x3FFC];
	_ =	sdelay $0x3  }
0x95: {  	_ =	strace s4  }
0x96: {  	s4 =	sld [smem:$0x3FFD];
	_ =	sdelay $0x3  }
0x97: {  	_ =	strace s4  }
0x98: {  	_ =	strace $0x8FFFFFFF  }
0x99: {  	s19 =	sld [smem:$0x3FDB];
	_ =	sdelay $0x1  }
0x9a: {  	s5 =	simm.s32 $_scs_section_size  }
0x9b: {  	s6 =	simm.s32 $_size__tile_overlayer_lowered;
	s7 =	simm.s32 $_tile_overlayer_lowered  }
0x9c: {  	s22 =	simm.s32 $0x1BFF;
	s21 =	sshll.u32 s7, $0x1;
	s4 =	sadd.s32 s5, s19  }
0x9d: {  	s8 =	simm.s32 $0x0;
	s20 =	sshll.u32 s6, $0x1;
	s6 =	sadd.s32 s21, s4  }
0x9e: {  	[timem:s8], [sflag:s22] =	dma.local [hbm:s6], s20  }
0x9f: {  	_ =	swait.ge [sflag:s22], s20  }
0xa0: {  	s5 =	ssub.s32 $0x0, s20;
	[sflag:s22] =	ssyncset.done $0x0  }
0xa1: {  	[sflag:s22] =	ssyncadd.s32 s5;
	_ =	sdelay $0x1  }
0xa2: {  	s23 =	simm.s32 $0x1B8B  }
0xa3: {  	_ =	swait.ge [sflag:s23], $0x1  }
0xa4: {  	[sflag:s23] =	ssyncset.done $0x0  }
0xa5: {  	s25 =	simm.s32 $0x1B8E;
	s24 =	sld [smem:$0x3FFE];
	[sflag:s23] =	ssyncadd.s32 $0xFFFFFFFF  }
0xa6: {  	s26 =	simm.s32 $execute0_lowered;
	[smem:$0x3FD2] =	sst s25  }
0xa7: {  	s6 =	sshll.u32 s26, $0x1;
	_ =	strace $0x80000046;
	[dreg:$0x1] =	wrdreg $0xFFFFFFFF  }
0xa8: {  	s28 =	simm.s32 $_size_execute0_lowered;
	s4 =	sadd.s32 s4, s6;
	[dreg:$0x0] =	wrdreg $0x0  }
0xa9: {  	s6 =	sshll.u32 s28, $0x1;
	[dreg:$0x2] =	wrdreg s4  }
0xaa: {  	[dreg:$0x3] =	wrdreg s6  }
0xab: {  	[dreg:$0x4] =	wrdreg $0xC0  }
0xac: {  	_ =	task [dreg:s8], $0x5FFFF  }
0xad: {  	[dreg:$0x1] =	wrdreg $0xFFFFFFFF  }
0xae: {  	[dreg:$0x0] =	wrdreg $0x60  }
0xaf: {  	[dreg:$0x2] =	wrdreg s24  }
0xb0: {  	[dreg:$0x3] =	wrdreg s2  }
0xb1: {  	[dreg:$0x4] =	wrdreg s18  }
0xb2: {  	[dreg:$0x5] =	wrdreg $0x9  }
0xb3: {  	_ =	task.clear_ibuf [dreg:s8], $0x6FFFF;
	_ =	strace $0x90000046  }
0xb4: {  	s29 =	simm.s32 $0x9;
	_ =	strace $0x80000048  }
0xb5: {  	_ =	swait.ge [sflag:s29], $0x1  }
0xb6: {  	[sflag:s29] =	ssyncadd.s32 $0xFFFFFFFF  }
0xb7: {  	_ =	strace $0x90000048  }
0xb8: {  	_ =	sfence  }
0xb9: {  	s30 =	sld [smem:$0x0];
	_ =	sdelay $0x2  }
0xba: {  	s31 =	sshll.u32 s1, $0xD;
	s1 =	sshrl.u32 s1, $0x2  }
0xbb: {  	s3 =	sand.u32 $0x4000, s31;
	s1 =	sadd.s32 s1, s30  }
0xbc: {  	s0 =	sor.u32 s3, s0;
	s1 =	sshll.u32 s1, $0x11  }
0xbd: {  	s0 =	sor.u32 s1, s0  }
0xbe: {  	s0 =	sadd.s32 $0x8F2B, s0  }
0xbf: {  	[sflag:s0] =	ssyncadd.remote.s32 $0x1  }
0xc0: {  	_ =	sfence.sel $0xFFFF  }
0xc1: {  	[dreg:$0x0] =	wrdreg $0xFFFFFFFF;
	(pc) =	sbr.abs _section_cstart, $3  }
0xc2: {  	[dreg:$0x1] =	wrdreg $0xFFFFFFFF  }
0xc3: {  	_ =	task.clear_ibuf [dreg:s8], $0x2FFFF;
	_ =	strace $0x9FFFFFFF  }
0xc4: {  	(tm) =	ssettm $0x7FFFFFFF  }
0xc5: {  	_ =	shalt  }
tec
execute0_lowered:
.L_overlay_start_1:
0x0: {  	(tag) =	ssettag $0x1  }
0x1: {  	s0 =	srdreg.scid  }
0x2: {  	s11 =	sand.u32 $0x1, s0;
	s0 =	stileid.u32  }
0x3: {  	s5 =	sor.u32 s0, s11  }
0x4: {  	p0 =	sne.s32 s5, $0x0  }
.Ltmp0:
0x5: {  	_ = 	snop;
	(pc) =	sbr.rel @p0 .LBB2_4-.Ltmp0, $4  }
0x6: {  	s4 =	rddreg [dreg:$0x0]  }
0x7: {  	s2 =	rddreg [dreg:$0x1]  }
0x8: {  	s3 =	rddreg [dreg:$0x2]  }
0x9: {  	s1 =	rddreg [dreg:$0x3];
	_ =	strace $0x80000047  }
0xa: {  	s4 =	sadd.s32 $0x800, s4;
	s6 =	simm.s32 $0x0;
	s5 =	simm.s32 $0x2  }
0xb: {  	[tilespmem:s6], [sflag:$0x2] =	stream.linear.gather [hbm4b:s4+s6], $0x80, $0x38;
	[tilespmem:$0x1080] =	vst v63  }
0xc: {  	_ =	swait.ge [sflag:s5], $0x80  }
0xd: {  	[sflag:s5] =	ssyncset.done $0x0  }
0xe: {  	[sflag:s5] =	ssyncadd.s32 $0xFFFFFF80  }
0xf: {  	v0 =	vld.msk [tilespmem:$0x0], $0xff;
	_ =	sdelay $0x4  }
0x10: {  	v1 =	vshll.u32 v0, $0x2  }
0x11: {  	v2 =	vlaneseq.u32;
	v3 =	vand.u32 $0x7, v0;
	v1 =	vand.u32 $0xFFFFFFE0, v1  }
0x12: {  	v0 =	vand.u32 $0x7, v2;
	v2 =	vshrl.u32 v2, $0x3;
	v3 =	vor.u32 v3, v1  }
0x13: {  	v1 =	vmul.u32 $0x8, v2;
	v2 =	vperm.xlane v3, v0;
	_ =	sdelay $0x1  }
0x14: {  	v2 =	vadd.s32 v1, v2;
	_ =	sdelay $0x3  }
0x15: {  	vm0 =	vmmov $0xffff;
	s7 =	simm.s32 $0x80;
	s8 =	sadd.s32 $0x100, s2  }
0x16: {  	[tilespmem:s7], [sflag:$0x1] =	stream.indirect_vreg.gather [hbm4b:s2+s6], $0x80, v2, vm0, $0xb8;
	[tilespmem:$0x1080] =	vst v63  }
0x17: {  	s9 =	simm.s32 $0x880;
	s10 =	simm.s32 $0x1;
	s11 =	ssub.s32 $0x2, s11  }
0x18: {  	[tilespmem:s9], [sflag:$0x1] =	stream.indirect_vreg.gather [hbm4b:s8+s6], $0x80, v2, vm0, $0xb8;
	[tilespmem:$0x1080] =	vst v63  }
0x19: {  	s12 =	sshrl.u32 s11, $0x1;
	_ =	swait.ge [sflag:s10], $0x1000  }
0x1a: {  	s13 =	ssub.s32 s11, s12;
	[sflag:s10] =	ssyncset.done $0x0  }
0x1b: {  	p0 =	sne.s32 s13, $0x1;
	[sflag:s10] =	ssyncadd.s32 $0xFFFFF000  }
0x1c: {  	[hbm4b:s3+s6] =	stream.linear.scatter [tilespmem:s9], [sflag:$0x2], $0x80, $0x38;
	[tilespmem:$0x1080] =	vst v63  }
.Ltmp1:
0x1d: {  	_ = 	snop;
	(pc) =	sbr.rel @!p0 .LBB2_3-.Ltmp1, $4  }
0x1e: {  	s11 =	sadd.s32 $0x10, s3;
	s12 =	simm.s32 $0xC80  }
0x1f: {  	[hbm4b:s11+s6] =	stream.linear.scatter [tilespmem:s12], [sflag:$0x2], $0x80, $0x38;
	[tilespmem:$0x1080] =	vst v63  }
0x20: {  	_ =	swait.ge [sflag:s5], $0x100  }
0x21: {  	s13 =	sadd.s32 $0xFFFFFFFF, s13;
	[sflag:s5] =	ssyncset.done $0x0  }
.LBB2_2:
0x22: {  	p0 =	sne.s32 s13, $0x1;
	s13 =	sadd.s32 $0xFFFFFFFF, s13;
	[sflag:s5] =	ssyncadd.s32 $0xFFFFFF00  }
0x23: {  	_ = 	snop  }
0x24: {  	[tilespmem:s6], [sflag:$0x2] =	stream.linear.gather [hbm4b:s4+s6], $0x80, $0x38;
	[tilespmem:$0x1080] =	vst v63  }
0x25: {  	_ =	swait.ge [sflag:s5], $0x80  }
0x26: {  	[sflag:s5] =	ssyncset.done $0x0  }
0x27: {  	[sflag:s5] =	ssyncadd.s32 $0xFFFFFF80  }
0x28: {  	v2 =	vld.msk [tilespmem:$0x0], $0xff;
	_ =	sdelay $0x4  }
0x29: {  	v3 =	vshll.u32 v2, $0x2  }
0x2a: {  	v2 =	vand.u32 $0x7, v2;
	v3 =	vand.u32 $0xFFFFFFE0, v3  }
0x2b: {  	v2 =	vor.u32 v2, v3  }
0x2c: {  	v2 =	vperm.xlane v2, v0;
	_ =	sdelay $0x1  }
0x2d: {  	v2 =	vadd.s32 v1, v2;
	_ =	sdelay $0x4  }
0x2e: {  	[tilespmem:s7], [sflag:$0x1] =	stream.indirect_vreg.gather [hbm4b:s2+s6], $0x80, v2, vm0, $0xb8;
	[tilespmem:$0x1080] =	vst v63  }
0x2f: {  	_ = 	snop  }
0x30: {  	[tilespmem:s9], [sflag:$0x1] =	stream.indirect_vreg.gather [hbm4b:s8+s6], $0x80, v2, vm0, $0xb8;
	[tilespmem:$0x1080] =	vst v63  }
0x31: {  	_ =	swait.ge [sflag:s10], $0x1000  }
0x32: {  	[sflag:s10] =	ssyncset.done $0x0  }
0x33: {  	[sflag:s10] =	ssyncadd.s32 $0xFFFFF000  }
0x34: {  	[hbm4b:s3+s6] =	stream.linear.scatter [tilespmem:s9], [sflag:$0x2], $0x80, $0x38;
	[tilespmem:$0x1080] =	vst v63  }
.Ltmp2:
0x35: {  	_ = 	snop;
	(pc) =	sbr.rel @p0 .LBB2_2-.Ltmp2, $4  }
0x36: {  	_ = 	snop  }
0x37: {  	[hbm4b:s11+s6] =	stream.linear.scatter [tilespmem:s12], [sflag:$0x2], $0x80, $0x38;
	[tilespmem:$0x1080] =	vst v63  }
0x38: {  	_ =	swait.ge [sflag:s5], $0x100  }
0x39: {  	[sflag:s5] =	ssyncset.done $0x0  }
.LBB2_3:
0x3a: {  	[sflag:s5] =	ssyncadd.s32 $0xFFFFFF00  }
.LBB2_4:
0x3b: {  	_ =	sfence.sel $0x180000  }
0x3c: {  	[bflag:$0x0] =	sbarrier.arrive $0xFFFF  }
0x3d: {  	p0 =	sne.s32 s0, $0x0;
	_ =	strace $0x90000047  }
0x3e: {  	s0 =	sadd.s32 @!p0 $0x100000, s1;
	[bflag:$0x2] =	sbarrier.arrive $0xFFFF  }
0x3f: {  	[sflag:s0] =	ssyncadd.tile.s32 @!p0 $0x1;
	_ =	shalt  }
.Lfunc_end2:
_tile_overlayer_lowered:
.L_overlay_start_2:
0x40: {  	(tag) =	ssettag $0x2  }
0x41: {  	s0 =	rddreg [dreg:$0x0];
	s2 =	stileid.u32  }
0x42: {  	s1 =	rddreg [dreg:$0x1];
	p0 =	sne.s32 s2, $0x0  }
0x43: {  	s3 =	rddreg [dreg:$0x2];
	[bflag:$0x3] =	sbarrier.arrive $0xFFFF;
	s2 =	simm.s32 @!p0 $0x1C02  }
0x44: {  	[timem:s3], [sflag:s2] =	dma.local @!p0 [hbm:s0], s1  }
0x45: {  	s0 =	simm.s32 @!p0 $0x2  }
0x46: {  	_ =	swait.ge @!p0 [sflag:s0], s1  }
0x47: {  	s1 =	ssub.s32 @!p0 $0x0, s1;
	[sflag:s0] =	ssyncset.done @!p0 $0x0  }
0x48: {  	[sflag:s0] =	ssyncadd.s32 @!p0 s1  }
0x49: {  	[bflag:$0x3] =	sbarrier.arrive $0xFFFF  }
0x4a: {  	_ =	shalt  }

</sc_bundles>
